<compile_context>
chip_gen: v7x
topology: tpu7x:2x2x1
jax: 0.10.2.dev20260603
libtpu: 0.0.44.dev20260713+nightly
codegen_flags: <defaults>
</compile_context>

<pallas_src>
import functools

import jax
import jax.numpy as jnp
from jax import lax
from jax.experimental import pallas as pl
from jax.experimental.pallas import tpu as pltpu
from jax.experimental.pallas import tpu_sc as plsc

_D = 64
_NC, _NS = 2, 16
_NW = _NC * _NS
_K = 128
_NBUF = 4


@functools.cache
def _make(batch, hist, vocab):
    total = batch * hist
    assert total % (_NW * _K) == 0
    chunks = total // (_NW * _K)
    b_per_w = total // _NW
    nrounds = chunks // _NBUF
    assert chunks % _NBUF == 0 and nrounds >= 2
    mesh = plsc.VectorSubcoreMesh(core_axis_name="c", subcore_axis_name="s")

    @functools.partial(
        pl.kernel,
        out_type=jax.ShapeDtypeStruct((total, _D), jnp.float32),
        mesh=mesh,
        scratch_types=[
            pltpu.VMEM((chunks, _K), jnp.int32),
            pltpu.VMEM((_NBUF, _K, _D), jnp.float32),
            [pltpu.SemaphoreType.DMA] * _NBUF,
            [pltpu.SemaphoreType.DMA] * _NBUF,
        ],
        compiler_params=pltpu.CompilerParams(use_tc_tiling_on_sc=False),
    )
    def emb(x_hbm, w_hbm, out_hbm, idx_v, rows_v, gsems, wsems):
        wid = lax.axis_index("s") * _NC + lax.axis_index("c")
        base = wid * b_per_w
        pltpu.sync_copy(x_hbm.at[wid], idx_v)

        def g_issue(c, b):
            pltpu.async_copy(w_hbm.at[idx_v.at[c]], rows_v.at[b], gsems[b])

        def g_wait(c, b):
            pltpu.make_async_copy(
                w_hbm.at[idx_v.at[c]], rows_v.at[b], gsems[b]).wait()

        def w_issue(c, b):
            pltpu.async_copy(
                rows_v.at[b], out_hbm.at[pl.ds(base + c * _K, _K)], wsems[b])

        def w_wait(c, b):
            pltpu.make_async_copy(
                rows_v.at[b], out_hbm.at[pl.ds(base + c * _K, _K)],
                wsems[b]).wait()

        for b in range(_NBUF - 1):
            g_issue(b, b)

        def do_round(c0, first, last):
            for b in range(_NBUF):
                c = c0 + b
                g_wait(c, b)
                w_issue(c, b)
                if last and b >= 1:
                    continue
                bp = (b + _NBUF - 1) % _NBUF
                if not (first and b == 0):
                    w_wait(c - 1, bp)
                g_issue(c + _NBUF - 1, bp)

        do_round(0, True, False)

        @pl.loop(_NBUF, (nrounds - 1) * _NBUF, step=_NBUF)
        def _rounds(c0):
            do_round(c0, False, False)

        do_round((nrounds - 1) * _NBUF, False, True)

        for b in range(_NBUF):
            w_wait((nrounds - 1) * _NBUF + b, b)

    return emb


def kernel(x, weight):
    batch, hist = x.shape
    vocab, d = weight.shape
    xr = x.reshape(_NW, (batch * hist) // (_NW * _K), _K)
    out = _make(batch, hist, vocab)(xr, weight)
    return out.reshape(batch, hist, d)

# --- scband reference (transcript-rebuilt; emitter-appended) ---
"""Pipeline reference for scband-embedding-4887672782942 (READ-ONLY COPY).

The authoritative reference and input builder live on the scoring server;
editing this copy changes nothing except your own understanding.
"""

import jax, jax.numpy as jnp
import numpy as np

VOCAB_SIZE = 32000
HIDDEN_SIZE = 64
BATCH = 4096
HIST_LEN = 200


def setup_inputs(seed: int = 0) -> dict:
    key = jax.random.key(seed)
    k_idx, k_w = jax.random.split(key)
    x = jax.random.randint(k_idx, (BATCH, HIST_LEN), 0, VOCAB_SIZE, dtype=jnp.int64 if jax.config.jax_enable_x64 else jnp.int32)
    weight = jax.random.normal(k_w, (VOCAB_SIZE, HIDDEN_SIZE), dtype=jnp.float32)
    return {"x": x, "weight": weight}


def reference(x, weight):
    # Embedding lookup: self.weight[x] (is_unembed=False path)
    return weight[x]

if __name__ == "__main__":
    import jax
    _d = setup_inputs()
    print(jax.jit(kernel)(*tuple(_d.values())))

</pallas_src>

<mosaic_0001>
#map = affine_map<(d0, d1) -> (0, 0, 0)>
#map1 = affine_map<(d0, d1) -> (0, 0)>
module attributes {stable_mosaic.version = 14 : i64} {
  func.func @emb(%arg0: i32, %arg1: i32, %arg2: memref<32x200x128xi32, #tpu.memory_space<hbm>>, %arg3: memref<32000x64xf32, #tpu.memory_space<hbm>>, %arg4: memref<819200x64xf32, #tpu.memory_space<hbm>>, %arg5: memref<200x128xi32, #tpu.memory_space<vmem>>, %arg6: memref<4x128x64xf32, #tpu.memory_space<vmem>>, %arg7: memref<!tpu.dma_semaphore, #tpu.memory_space<semaphore_mem>>, %arg8: memref<!tpu.dma_semaphore, #tpu.memory_space<semaphore_mem>>, %arg9: memref<!tpu.dma_semaphore, #tpu.memory_space<semaphore_mem>>, %arg10: memref<!tpu.dma_semaphore, #tpu.memory_space<semaphore_mem>>, %arg11: memref<!tpu.dma_semaphore, #tpu.memory_space<semaphore_mem>>, %arg12: memref<!tpu.dma_semaphore, #tpu.memory_space<semaphore_mem>>, %arg13: memref<!tpu.dma_semaphore, #tpu.memory_space<semaphore_mem>>, %arg14: memref<!tpu.dma_semaphore, #tpu.memory_space<semaphore_mem>>) attributes {dimension_semantics = [#tpu.dimension_semantics<core_parallel>, #tpu.dimension_semantics<subcore_parallel>], iteration_bounds = array<i64: 2, 16>, scalar_prefetch = 0 : i64, scratch_operands = 10 : i64, tpu.core_type = #tpu.core_type<sc_vector_subcore>, window_params = [{transform_indices = #map}, {transform_indices = #map1}, {transform_indices = #map1}]} {
    %mul3A = arith.constant 2 : i32
    %mul3A_0 = arith.muli %arg1, %mul3A : i32
    %add3A = arith.addi %mul3A_0, %arg0 : i32
    %mul3A_1 = arith.constant 25600 : i32
    %mul3A_2 = arith.muli %add3A, %mul3A_1 : i32
    "tpu.region"() ({
      %run_scoped3A = tpu.sem_alloc : memref<!tpu.dma_semaphore, #tpu.memory_space<semaphore_mem>>
      %dma_start3A_437 = arith.constant 0 : i32
      %dma_start3A_438 = arith.constant 0 : i32
      %dma_start3A_439 = tpu.memref_slice %arg2[%add3A, %dma_start3A_437, %dma_start3A_438] : memref<32x200x128xi32, #tpu.memory_space<hbm>> -> memref<1x200x128xi32, #tpu.memory_space<hbm>>
      %dma_start3A_440 = tpu.memref_squeeze %dma_start3A_439 : memref<1x200x128xi32, #tpu.memory_space<hbm>> -> memref<200x128xi32, #tpu.memory_space<hbm>>
      %dma_start3A_441 = arith.constant 0 : i32
      %dma_start3A_442 = arith.constant 0 : i32
      %dma_start3A_443 = tpu.memref_slice %arg2[%add3A, %dma_start3A_441, %dma_start3A_442] : memref<32x200x128xi32, #tpu.memory_space<hbm>> -> memref<1x200x128xi32, #tpu.memory_space<hbm>>
      %dma_start3A_444 = tpu.memref_squeeze %dma_start3A_443 : memref<1x200x128xi32, #tpu.memory_space<hbm>> -> memref<200x128xi32, #tpu.memory_space<hbm>>
      tpu.enqueue_dma source(%dma_start3A_444 : memref<200x128xi32, #tpu.memory_space<hbm>>) target(%arg5 : memref<200x128xi32, #tpu.memory_space<vmem>>) target_semaphore(%run_scoped3A : memref<!tpu.dma_semaphore, #tpu.memory_space<semaphore_mem>>)
      %dma_wait3A_445 = arith.constant 0 : i32
      %dma_wait3A_446 = arith.constant 0 : i32
      %dma_wait3A_447 = tpu.memref_slice %arg2[%add3A, %dma_wait3A_445, %dma_wait3A_446] : memref<32x200x128xi32, #tpu.memory_space<hbm>> -> memref<1x200x128xi32, #tpu.memory_space<hbm>>
      %dma_wait3A_448 = tpu.memref_squeeze %dma_wait3A_447 : memref<1x200x128xi32, #tpu.memory_space<hbm>> -> memref<200x128xi32, #tpu.memory_space<hbm>>
      %dma_wait3A_449 = arith.constant 0 : i32
      %dma_wait3A_450 = arith.constant 0 : i32
      %dma_wait3A_451 = tpu.memref_slice %arg2[%add3A, %dma_wait3A_449, %dma_wait3A_450] : memref<32x200x128xi32, #tpu.memory_space<hbm>> -> memref<1x200x128xi32, #tpu.memory_space<hbm>>
      %dma_wait3A_452 = tpu.memref_squeeze %dma_wait3A_451 : memref<1x200x128xi32, #tpu.memory_space<hbm>> -> memref<200x128xi32, #tpu.memory_space<hbm>>
      tpu.wait_dma2 semaphore(%run_scoped3A : memref<!tpu.dma_semaphore, #tpu.memory_space<semaphore_mem>>) src(%dma_wait3A_452 : memref<200x128xi32, #tpu.memory_space<hbm>>) dst(%arg5 : memref<200x128xi32, #tpu.memory_space<vmem>>)
      tpu.yield
    }) : () -> ()
    %dma_start3A = arith.constant 0 : i32
    %dma_start3A_3 = arith.constant 0 : i32
    %dma_start3A_4 = arith.constant 0 : i32
    %dma_start3A_5 = arith.constant 0 : i32
    %dma_start3A_6 = tpu.memref_slice %arg6[%dma_start3A_3, %dma_start3A_4, %dma_start3A_5] : memref<4x128x64xf32, #tpu.memory_space<vmem>> -> memref<1x128x64xf32, #tpu.memory_space<vmem>>
    %dma_start3A_7 = tpu.memref_squeeze %dma_start3A_6 : memref<1x128x64xf32, #tpu.memory_space<vmem>> -> memref<128x64xf32, #tpu.memory_space<vmem>>
    %dma_start3A_8 = arith.constant 0 : i32
    %dma_start3A_9 = tpu.memref_slice %arg5[%dma_start3A, %dma_start3A_8] : memref<200x128xi32, #tpu.memory_space<vmem>> -> memref<1x128xi32, #tpu.memory_space<vmem>>
    %dma_start3A_10 = tpu.memref_squeeze %dma_start3A_9 : memref<1x128xi32, #tpu.memory_space<vmem>> -> memref<128xi32, #tpu.memory_space<vmem>>
    %dma_start3A_11 = arith.constant 0 : i32
    %dma_start3A_12 = arith.constant 0 : i32
    %dma_start3A_13 = tpu.memref_slice %arg3[%dma_start3A_11, %dma_start3A_12] : memref<32000x64xf32, #tpu.memory_space<hbm>> -> memref<32000x64xf32, #tpu.memory_space<hbm>>
    tpu.enqueue_indirect_dma source(%dma_start3A_13 : memref<32000x64xf32, #tpu.memory_space<hbm>>) target(%dma_start3A_7 : memref<128x64xf32, #tpu.memory_space<vmem>>) offsets(%dma_start3A_10 : memref<128xi32, #tpu.memory_space<vmem>>) semaphore(%arg7 : memref<!tpu.dma_semaphore, #tpu.memory_space<semaphore_mem>>)
    %dma_start3A_14 = arith.constant 1 : i32
    %dma_start3A_15 = arith.constant 1 : i32
    %dma_start3A_16 = arith.constant 0 : i32
    %dma_start3A_17 = arith.constant 0 : i32
    %dma_start3A_18 = tpu.memref_slice %arg6[%dma_start3A_15, %dma_start3A_16, %dma_start3A_17] : memref<4x128x64xf32, #tpu.memory_space<vmem>> -> memref<1x128x64xf32, #tpu.memory_space<vmem>>
    %dma_start3A_19 = tpu.memref_squeeze %dma_start3A_18 : memref<1x128x64xf32, #tpu.memory_space<vmem>> -> memref<128x64xf32, #tpu.memory_space<vmem>>
    %dma_start3A_20 = arith.constant 0 : i32
    %dma_start3A_21 = tpu.memref_slice %arg5[%dma_start3A_14, %dma_start3A_20] : memref<200x128xi32, #tpu.memory_space<vmem>> -> memref<1x128xi32, #tpu.memory_space<vmem>>
    %dma_start3A_22 = tpu.memref_squeeze %dma_start3A_21 : memref<1x128xi32, #tpu.memory_space<vmem>> -> memref<128xi32, #tpu.memory_space<vmem>>
    %dma_start3A_23 = arith.constant 0 : i32
    %dma_start3A_24 = arith.constant 0 : i32
    %dma_start3A_25 = tpu.memref_slice %arg3[%dma_start3A_23, %dma_start3A_24] : memref<32000x64xf32, #tpu.memory_space<hbm>> -> memref<32000x64xf32, #tpu.memory_space<hbm>>
    tpu.enqueue_indirect_dma source(%dma_start3A_25 : memref<32000x64xf32, #tpu.memory_space<hbm>>) target(%dma_start3A_19 : memref<128x64xf32, #tpu.memory_space<vmem>>) offsets(%dma_start3A_22 : memref<128xi32, #tpu.memory_space<vmem>>) semaphore(%arg8 : memref<!tpu.dma_semaphore, #tpu.memory_space<semaphore_mem>>)
    %dma_start3A_26 = arith.constant 2 : i32
    %dma_start3A_27 = arith.constant 2 : i32
    %dma_start3A_28 = arith.constant 0 : i32
    %dma_start3A_29 = arith.constant 0 : i32
    %dma_start3A_30 = tpu.memref_slice %arg6[%dma_start3A_27, %dma_start3A_28, %dma_start3A_29] : memref<4x128x64xf32, #tpu.memory_space<vmem>> -> memref<1x128x64xf32, #tpu.memory_space<vmem>>
    %dma_start3A_31 = tpu.memref_squeeze %dma_start3A_30 : memref<1x128x64xf32, #tpu.memory_space<vmem>> -> memref<128x64xf32, #tpu.memory_space<vmem>>
    %dma_start3A_32 = arith.constant 0 : i32
    %dma_start3A_33 = tpu.memref_slice %arg5[%dma_start3A_26, %dma_start3A_32] : memref<200x128xi32, #tpu.memory_space<vmem>> -> memref<1x128xi32, #tpu.memory_space<vmem>>
    %dma_start3A_34 = tpu.memref_squeeze %dma_start3A_33 : memref<1x128xi32, #tpu.memory_space<vmem>> -> memref<128xi32, #tpu.memory_space<vmem>>
    %dma_start3A_35 = arith.constant 0 : i32
    %dma_start3A_36 = arith.constant 0 : i32
    %dma_start3A_37 = tpu.memref_slice %arg3[%dma_start3A_35, %dma_start3A_36] : memref<32000x64xf32, #tpu.memory_space<hbm>> -> memref<32000x64xf32, #tpu.memory_space<hbm>>
    tpu.enqueue_indirect_dma source(%dma_start3A_37 : memref<32000x64xf32, #tpu.memory_space<hbm>>) target(%dma_start3A_31 : memref<128x64xf32, #tpu.memory_space<vmem>>) offsets(%dma_start3A_34 : memref<128xi32, #tpu.memory_space<vmem>>) semaphore(%arg9 : memref<!tpu.dma_semaphore, #tpu.memory_space<semaphore_mem>>)
    %dma_wait3A = arith.constant 0 : i32
    %dma_wait3A_38 = arith.constant 0 : i32
    %dma_wait3A_39 = arith.constant 0 : i32
    %dma_wait3A_40 = arith.constant 0 : i32
    %dma_wait3A_41 = tpu.memref_slice %arg6[%dma_wait3A_38, %dma_wait3A_39, %dma_wait3A_40] : memref<4x128x64xf32, #tpu.memory_space<vmem>> -> memref<1x128x64xf32, #tpu.memory_space<vmem>>
    %dma_wait3A_42 = tpu.memref_squeeze %dma_wait3A_41 : memref<1x128x64xf32, #tpu.memory_space<vmem>> -> memref<128x64xf32, #tpu.memory_space<vmem>>
    %dma_wait3A_43 = arith.constant 0 : i32
    %dma_wait3A_44 = tpu.memref_slice %arg5[%dma_wait3A, %dma_wait3A_43] : memref<200x128xi32, #tpu.memory_space<vmem>> -> memref<1x128xi32, #tpu.memory_space<vmem>>
    %dma_wait3A_45 = tpu.memref_squeeze %dma_wait3A_44 : memref<1x128xi32, #tpu.memory_space<vmem>> -> memref<128xi32, #tpu.memory_space<vmem>>
    %dma_wait3A_46 = arith.constant 0 : i32
    %dma_wait3A_47 = arith.constant 0 : i32
    %dma_wait3A_48 = tpu.memref_slice %arg3[%dma_wait3A_46, %dma_wait3A_47] : memref<32000x64xf32, #tpu.memory_space<hbm>> -> memref<32000x64xf32, #tpu.memory_space<hbm>>
    tpu.wait_indirect_dma semaphore(%arg7 : memref<!tpu.dma_semaphore, #tpu.memory_space<semaphore_mem>>) src(%dma_wait3A_48 : memref<32000x64xf32, #tpu.memory_space<hbm>>) dst(%dma_wait3A_42 : memref<128x64xf32, #tpu.memory_space<vmem>>)
    %add3A_49 = arith.constant 0 : i32
    %add3A_50 = arith.addi %mul3A_2, %add3A_49 : i32
    %dma_start3A_51 = arith.constant 0 : i32
    %dma_start3A_52 = arith.constant 0 : i32
    %dma_start3A_53 = arith.constant 0 : i32
    %dma_start3A_54 = tpu.memref_slice %arg6[%dma_start3A_51, %dma_start3A_52, %dma_start3A_53] : memref<4x128x64xf32, #tpu.memory_space<vmem>> -> memref<1x128x64xf32, #tpu.memory_space<vmem>>
    %dma_start3A_55 = tpu.memref_squeeze %dma_start3A_54 : memref<1x128x64xf32, #tpu.memory_space<vmem>> -> memref<128x64xf32, #tpu.memory_space<vmem>>
    %dma_start3A_56 = arith.constant 0 : i32
    %dma_start3A_57 = tpu.memref_slice %arg4[%add3A_50, %dma_start3A_56] : memref<819200x64xf32, #tpu.memory_space<hbm>> -> memref<128x64xf32, #tpu.memory_space<hbm>>
    %dma_start3A_58 = arith.constant 0 : i32
    %dma_start3A_59 = tpu.memref_slice %arg4[%add3A_50, %dma_start3A_58] : memref<819200x64xf32, #tpu.memory_space<hbm>> -> memref<128x64xf32, #tpu.memory_space<hbm>>
    %dma_start3A_60 = arith.constant 0 : i32
    %dma_start3A_61 = arith.constant 0 : i32
    %dma_start3A_62 = tpu.memref_slice %arg6[%dma_start3A_51, %dma_start3A_60, %dma_start3A_61] : memref<4x128x64xf32, #tpu.memory_space<vmem>> -> memref<1x128x64xf32, #tpu.memory_space<vmem>>
    %dma_start3A_63 = tpu.memref_squeeze %dma_start3A_62 : memref<1x128x64xf32, #tpu.memory_space<vmem>> -> memref<128x64xf32, #tpu.memory_space<vmem>>
    tpu.enqueue_dma source(%dma_start3A_63 : memref<128x64xf32, #tpu.memory_space<vmem>>) target(%dma_start3A_59 : memref<128x64xf32, #tpu.memory_space<hbm>>) target_semaphore(%arg11 : memref<!tpu.dma_semaphore, #tpu.memory_space<semaphore_mem>>)
    %dma_start3A_64 = arith.constant 3 : i32
    %dma_start3A_65 = arith.constant 3 : i32
    %dma_start3A_66 = arith.constant 0 : i32
    %dma_start3A_67 = arith.constant 0 : i32
    %dma_start3A_68 = tpu.memref_slice %arg6[%dma_start3A_65, %dma_start3A_66, %dma_start3A_67] : memref<4x128x64xf32, #tpu.memory_space<vmem>> -> memref<1x128x64xf32, #tpu.memory_space<vmem>>
    %dma_start3A_69 = tpu.memref_squeeze %dma_start3A_68 : memref<1x128x64xf32, #tpu.memory_space<vmem>> -> memref<128x64xf32, #tpu.memory_space<vmem>>
    %dma_start3A_70 = arith.constant 0 : i32
    %dma_start3A_71 = tpu.memref_slice %arg5[%dma_start3A_64, %dma_start3A_70] : memref<200x128xi32, #tpu.memory_space<vmem>> -> memref<1x128xi32, #tpu.memory_space<vmem>>
    %dma_start3A_72 = tpu.memref_squeeze %dma_start3A_71 : memref<1x128xi32, #tpu.memory_space<vmem>> -> memref<128xi32, #tpu.memory_space<vmem>>
    %dma_start3A_73 = arith.constant 0 : i32
    %dma_start3A_74 = arith.constant 0 : i32
    %dma_start3A_75 = tpu.memref_slice %arg3[%dma_start3A_73, %dma_start3A_74] : memref<32000x64xf32, #tpu.memory_space<hbm>> -> memref<32000x64xf32, #tpu.memory_space<hbm>>
    tpu.enqueue_indirect_dma source(%dma_start3A_75 : memref<32000x64xf32, #tpu.memory_space<hbm>>) target(%dma_start3A_69 : memref<128x64xf32, #tpu.memory_space<vmem>>) offsets(%dma_start3A_72 : memref<128xi32, #tpu.memory_space<vmem>>) semaphore(%arg10 : memref<!tpu.dma_semaphore, #tpu.memory_space<semaphore_mem>>)
    %dma_wait3A_76 = arith.constant 1 : i32
    %dma_wait3A_77 = arith.constant 1 : i32
    %dma_wait3A_78 = arith.constant 0 : i32
    %dma_wait3A_79 = arith.constant 0 : i32
    %dma_wait3A_80 = tpu.memref_slice %arg6[%dma_wait3A_77, %dma_wait3A_78, %dma_wait3A_79] : memref<4x128x64xf32, #tpu.memory_space<vmem>> -> memref<1x128x64xf32, #tpu.memory_space<vmem>>
    %dma_wait3A_81 = tpu.memref_squeeze %dma_wait3A_80 : memref<1x128x64xf32, #tpu.memory_space<vmem>> -> memref<128x64xf32, #tpu.memory_space<vmem>>
    %dma_wait3A_82 = arith.constant 0 : i32
    %dma_wait3A_83 = tpu.memref_slice %arg5[%dma_wait3A_76, %dma_wait3A_82] : memref<200x128xi32, #tpu.memory_space<vmem>> -> memref<1x128xi32, #tpu.memory_space<vmem>>
    %dma_wait3A_84 = tpu.memref_squeeze %dma_wait3A_83 : memref<1x128xi32, #tpu.memory_space<vmem>> -> memref<128xi32, #tpu.memory_space<vmem>>
    %dma_wait3A_85 = arith.constant 0 : i32
    %dma_wait3A_86 = arith.constant 0 : i32
    %dma_wait3A_87 = tpu.memref_slice %arg3[%dma_wait3A_85, %dma_wait3A_86] : memref<32000x64xf32, #tpu.memory_space<hbm>> -> memref<32000x64xf32, #tpu.memory_space<hbm>>
    tpu.wait_indirect_dma semaphore(%arg8 : memref<!tpu.dma_semaphore, #tpu.memory_space<semaphore_mem>>) src(%dma_wait3A_87 : memref<32000x64xf32, #tpu.memory_space<hbm>>) dst(%dma_wait3A_81 : memref<128x64xf32, #tpu.memory_space<vmem>>)
    %add3A_88 = arith.constant 128 : i32
    %add3A_89 = arith.addi %mul3A_2, %add3A_88 : i32
    %dma_start3A_90 = arith.constant 1 : i32
    %dma_start3A_91 = arith.constant 0 : i32
    %dma_start3A_92 = arith.constant 0 : i32
    %dma_start3A_93 = tpu.memref_slice %arg6[%dma_start3A_90, %dma_start3A_91, %dma_start3A_92] : memref<4x128x64xf32, #tpu.memory_space<vmem>> -> memref<1x128x64xf32, #tpu.memory_space<vmem>>
    %dma_start3A_94 = tpu.memref_squeeze %dma_start3A_93 : memref<1x128x64xf32, #tpu.memory_space<vmem>> -> memref<128x64xf32, #tpu.memory_space<vmem>>
    %dma_start3A_95 = arith.constant 0 : i32
    %dma_start3A_96 = tpu.memref_slice %arg4[%add3A_89, %dma_start3A_95] : memref<819200x64xf32, #tpu.memory_space<hbm>> -> memref<128x64xf32, #tpu.memory_space<hbm>>
    %dma_start3A_97 = arith.constant 0 : i32
    %dma_start3A_98 = tpu.memref_slice %arg4[%add3A_89, %dma_start3A_97] : memref<819200x64xf32, #tpu.memory_space<hbm>> -> memref<128x64xf32, #tpu.memory_space<hbm>>
    %dma_start3A_99 = arith.constant 0 : i32
    %dma_start3A_100 = arith.constant 0 : i32
    %dma_start3A_101 = tpu.memref_slice %arg6[%dma_start3A_90, %dma_start3A_99, %dma_start3A_100] : memref<4x128x64xf32, #tpu.memory_space<vmem>> -> memref<1x128x64xf32, #tpu.memory_space<vmem>>
    %dma_start3A_102 = tpu.memref_squeeze %dma_start3A_101 : memref<1x128x64xf32, #tpu.memory_space<vmem>> -> memref<128x64xf32, #tpu.memory_space<vmem>>
    tpu.enqueue_dma source(%dma_start3A_102 : memref<128x64xf32, #tpu.memory_space<vmem>>) target(%dma_start3A_98 : memref<128x64xf32, #tpu.memory_space<hbm>>) target_semaphore(%arg12 : memref<!tpu.dma_semaphore, #tpu.memory_space<semaphore_mem>>)
    %add3A_103 = arith.constant 0 : i32
    %add3A_104 = arith.addi %mul3A_2, %add3A_103 : i32
    %dma_wait3A_105 = arith.constant 0 : i32
    %dma_wait3A_106 = arith.constant 0 : i32
    %dma_wait3A_107 = arith.constant 0 : i32
    %dma_wait3A_108 = tpu.memref_slice %arg6[%dma_wait3A_105, %dma_wait3A_106, %dma_wait3A_107] : memref<4x128x64xf32, #tpu.memory_space<vmem>> -> memref<1x128x64xf32, #tpu.memory_space<vmem>>
    %dma_wait3A_109 = tpu.memref_squeeze %dma_wait3A_108 : memref<1x128x64xf32, #tpu.memory_space<vmem>> -> memref<128x64xf32, #tpu.memory_space<vmem>>
    %dma_wait3A_110 = arith.constant 0 : i32
    %dma_wait3A_111 = tpu.memref_slice %arg4[%add3A_104, %dma_wait3A_110] : memref<819200x64xf32, #tpu.memory_space<hbm>> -> memref<128x64xf32, #tpu.memory_space<hbm>>
    %dma_wait3A_112 = arith.constant 0 : i32
    %dma_wait3A_113 = tpu.memref_slice %arg4[%add3A_104, %dma_wait3A_112] : memref<819200x64xf32, #tpu.memory_space<hbm>> -> memref<128x64xf32, #tpu.memory_space<hbm>>
    %dma_wait3A_114 = arith.constant 0 : i32
    %dma_wait3A_115 = arith.constant 0 : i32
    %dma_wait3A_116 = tpu.memref_slice %arg6[%dma_wait3A_105, %dma_wait3A_114, %dma_wait3A_115] : memref<4x128x64xf32, #tpu.memory_space<vmem>> -> memref<1x128x64xf32, #tpu.memory_space<vmem>>
    %dma_wait3A_117 = tpu.memref_squeeze %dma_wait3A_116 : memref<1x128x64xf32, #tpu.memory_space<vmem>> -> memref<128x64xf32, #tpu.memory_space<vmem>>
    tpu.wait_dma2 semaphore(%arg11 : memref<!tpu.dma_semaphore, #tpu.memory_space<semaphore_mem>>) src(%dma_wait3A_117 : memref<128x64xf32, #tpu.memory_space<vmem>>) dst(%dma_wait3A_113 : memref<128x64xf32, #tpu.memory_space<hbm>>)
    %dma_start3A_118 = arith.constant 4 : i32
    %dma_start3A_119 = arith.constant 0 : i32
    %dma_start3A_120 = arith.constant 0 : i32
    %dma_start3A_121 = arith.constant 0 : i32
    %dma_start3A_122 = tpu.memref_slice %arg6[%dma_start3A_119, %dma_start3A_120, %dma_start3A_121] : memref<4x128x64xf32, #tpu.memory_space<vmem>> -> memref<1x128x64xf32, #tpu.memory_space<vmem>>
    %dma_start3A_123 = tpu.memref_squeeze %dma_start3A_122 : memref<1x128x64xf32, #tpu.memory_space<vmem>> -> memref<128x64xf32, #tpu.memory_space<vmem>>
    %dma_start3A_124 = arith.constant 0 : i32
    %dma_start3A_125 = tpu.memref_slice %arg5[%dma_start3A_118, %dma_start3A_124] : memref<200x128xi32, #tpu.memory_space<vmem>> -> memref<1x128xi32, #tpu.memory_space<vmem>>
    %dma_start3A_126 = tpu.memref_squeeze %dma_start3A_125 : memref<1x128xi32, #tpu.memory_space<vmem>> -> memref<128xi32, #tpu.memory_space<vmem>>
    %dma_start3A_127 = arith.constant 0 : i32
    %dma_start3A_128 = arith.constant 0 : i32
    %dma_start3A_129 = tpu.memref_slice %arg3[%dma_start3A_127, %dma_start3A_128] : memref<32000x64xf32, #tpu.memory_space<hbm>> -> memref<32000x64xf32, #tpu.memory_space<hbm>>
    tpu.enqueue_indirect_dma source(%dma_start3A_129 : memref<32000x64xf32, #tpu.memory_space<hbm>>) target(%dma_start3A_123 : memref<128x64xf32, #tpu.memory_space<vmem>>) offsets(%dma_start3A_126 : memref<128xi32, #tpu.memory_space<vmem>>) semaphore(%arg7 : memref<!tpu.dma_semaphore, #tpu.memory_space<semaphore_mem>>)
    %dma_wait3A_130 = arith.constant 2 : i32
    %dma_wait3A_131 = arith.constant 2 : i32
    %dma_wait3A_132 = arith.constant 0 : i32
    %dma_wait3A_133 = arith.constant 0 : i32
    %dma_wait3A_134 = tpu.memref_slice %arg6[%dma_wait3A_131, %dma_wait3A_132, %dma_wait3A_133] : memref<4x128x64xf32, #tpu.memory_space<vmem>> -> memref<1x128x64xf32, #tpu.memory_space<vmem>>
    %dma_wait3A_135 = tpu.memref_squeeze %dma_wait3A_134 : memref<1x128x64xf32, #tpu.memory_space<vmem>> -> memref<128x64xf32, #tpu.memory_space<vmem>>
    %dma_wait3A_136 = arith.constant 0 : i32
    %dma_wait3A_137 = tpu.memref_slice %arg5[%dma_wait3A_130, %dma_wait3A_136] : memref<200x128xi32, #tpu.memory_space<vmem>> -> memref<1x128xi32, #tpu.memory_space<vmem>>
    %dma_wait3A_138 = tpu.memref_squeeze %dma_wait3A_137 : memref<1x128xi32, #tpu.memory_space<vmem>> -> memref<128xi32, #tpu.memory_space<vmem>>
    %dma_wait3A_139 = arith.constant 0 : i32
    %dma_wait3A_140 = arith.constant 0 : i32
    %dma_wait3A_141 = tpu.memref_slice %arg3[%dma_wait3A_139, %dma_wait3A_140] : memref<32000x64xf32, #tpu.memory_space<hbm>> -> memref<32000x64xf32, #tpu.memory_space<hbm>>
    tpu.wait_indirect_dma semaphore(%arg9 : memref<!tpu.dma_semaphore, #tpu.memory_space<semaphore_mem>>) src(%dma_wait3A_141 : memref<32000x64xf32, #tpu.memory_space<hbm>>) dst(%dma_wait3A_135 : memref<128x64xf32, #tpu.memory_space<vmem>>)
    %add3A_142 = arith.constant 256 : i32
    %add3A_143 = arith.addi %mul3A_2, %add3A_142 : i32
    %dma_start3A_144 = arith.constant 2 : i32
    %dma_start3A_145 = arith.constant 0 : i32
    %dma_start3A_146 = arith.constant 0 : i32
    %dma_start3A_147 = tpu.memref_slice %arg6[%dma_start3A_144, %dma_start3A_145, %dma_start3A_146] : memref<4x128x64xf32, #tpu.memory_space<vmem>> -> memref<1x128x64xf32, #tpu.memory_space<vmem>>
    %dma_start3A_148 = tpu.memref_squeeze %dma_start3A_147 : memref<1x128x64xf32, #tpu.memory_space<vmem>> -> memref<128x64xf32, #tpu.memory_space<vmem>>
    %dma_start3A_149 = arith.constant 0 : i32
    %dma_start3A_150 = tpu.memref_slice %arg4[%add3A_143, %dma_start3A_149] : memref<819200x64xf32, #tpu.memory_space<hbm>> -> memref<128x64xf32, #tpu.memory_space<hbm>>
    %dma_start3A_151 = arith.constant 0 : i32
    %dma_start3A_152 = tpu.memref_slice %arg4[%add3A_143, %dma_start3A_151] : memref<819200x64xf32, #tpu.memory_space<hbm>> -> memref<128x64xf32, #tpu.memory_space<hbm>>
    %dma_start3A_153 = arith.constant 0 : i32
    %dma_start3A_154 = arith.constant 0 : i32
    %dma_start3A_155 = tpu.memref_slice %arg6[%dma_start3A_144, %dma_start3A_153, %dma_start3A_154] : memref<4x128x64xf32, #tpu.memory_space<vmem>> -> memref<1x128x64xf32, #tpu.memory_space<vmem>>
    %dma_start3A_156 = tpu.memref_squeeze %dma_start3A_155 : memref<1x128x64xf32, #tpu.memory_space<vmem>> -> memref<128x64xf32, #tpu.memory_space<vmem>>
    tpu.enqueue_dma source(%dma_start3A_156 : memref<128x64xf32, #tpu.memory_space<vmem>>) target(%dma_start3A_152 : memref<128x64xf32, #tpu.memory_space<hbm>>) target_semaphore(%arg13 : memref<!tpu.dma_semaphore, #tpu.memory_space<semaphore_mem>>)
    %add3A_157 = arith.constant 128 : i32
    %add3A_158 = arith.addi %mul3A_2, %add3A_157 : i32
    %dma_wait3A_159 = arith.constant 1 : i32
    %dma_wait3A_160 = arith.constant 0 : i32
    %dma_wait3A_161 = arith.constant 0 : i32
    %dma_wait3A_162 = tpu.memref_slice %arg6[%dma_wait3A_159, %dma_wait3A_160, %dma_wait3A_161] : memref<4x128x64xf32, #tpu.memory_space<vmem>> -> memref<1x128x64xf32, #tpu.memory_space<vmem>>
    %dma_wait3A_163 = tpu.memref_squeeze %dma_wait3A_162 : memref<1x128x64xf32, #tpu.memory_space<vmem>> -> memref<128x64xf32, #tpu.memory_space<vmem>>
    %dma_wait3A_164 = arith.constant 0 : i32
    %dma_wait3A_165 = tpu.memref_slice %arg4[%add3A_158, %dma_wait3A_164] : memref<819200x64xf32, #tpu.memory_space<hbm>> -> memref<128x64xf32, #tpu.memory_space<hbm>>
    %dma_wait3A_166 = arith.constant 0 : i32
    %dma_wait3A_167 = tpu.memref_slice %arg4[%add3A_158, %dma_wait3A_166] : memref<819200x64xf32, #tpu.memory_space<hbm>> -> memref<128x64xf32, #tpu.memory_space<hbm>>
    %dma_wait3A_168 = arith.constant 0 : i32
    %dma_wait3A_169 = arith.constant 0 : i32
    %dma_wait3A_170 = tpu.memref_slice %arg6[%dma_wait3A_159, %dma_wait3A_168, %dma_wait3A_169] : memref<4x128x64xf32, #tpu.memory_space<vmem>> -> memref<1x128x64xf32, #tpu.memory_space<vmem>>
    %dma_wait3A_171 = tpu.memref_squeeze %dma_wait3A_170 : memref<1x128x64xf32, #tpu.memory_space<vmem>> -> memref<128x64xf32, #tpu.memory_space<vmem>>
    tpu.wait_dma2 semaphore(%arg12 : memref<!tpu.dma_semaphore, #tpu.memory_space<semaphore_mem>>) src(%dma_wait3A_171 : memref<128x64xf32, #tpu.memory_space<vmem>>) dst(%dma_wait3A_167 : memref<128x64xf32, #tpu.memory_space<hbm>>)
    %dma_start3A_172 = arith.constant 5 : i32
    %dma_start3A_173 = arith.constant 1 : i32
    %dma_start3A_174 = arith.constant 0 : i32
    %dma_start3A_175 = arith.constant 0 : i32
    %dma_start3A_176 = tpu.memref_slice %arg6[%dma_start3A_173, %dma_start3A_174, %dma_start3A_175] : memref<4x128x64xf32, #tpu.memory_space<vmem>> -> memref<1x128x64xf32, #tpu.memory_space<vmem>>
    %dma_start3A_177 = tpu.memref_squeeze %dma_start3A_176 : memref<1x128x64xf32, #tpu.memory_space<vmem>> -> memref<128x64xf32, #tpu.memory_space<vmem>>
    %dma_start3A_178 = arith.constant 0 : i32
    %dma_start3A_179 = tpu.memref_slice %arg5[%dma_start3A_172, %dma_start3A_178] : memref<200x128xi32, #tpu.memory_space<vmem>> -> memref<1x128xi32, #tpu.memory_space<vmem>>
    %dma_start3A_180 = tpu.memref_squeeze %dma_start3A_179 : memref<1x128xi32, #tpu.memory_space<vmem>> -> memref<128xi32, #tpu.memory_space<vmem>>
    %dma_start3A_181 = arith.constant 0 : i32
    %dma_start3A_182 = arith.constant 0 : i32
    %dma_start3A_183 = tpu.memref_slice %arg3[%dma_start3A_181, %dma_start3A_182] : memref<32000x64xf32, #tpu.memory_space<hbm>> -> memref<32000x64xf32, #tpu.memory_space<hbm>>
    tpu.enqueue_indirect_dma source(%dma_start3A_183 : memref<32000x64xf32, #tpu.memory_space<hbm>>) target(%dma_start3A_177 : memref<128x64xf32, #tpu.memory_space<vmem>>) offsets(%dma_start3A_180 : memref<128xi32, #tpu.memory_space<vmem>>) semaphore(%arg8 : memref<!tpu.dma_semaphore, #tpu.memory_space<semaphore_mem>>)
    %dma_wait3A_184 = arith.constant 3 : i32
    %dma_wait3A_185 = arith.constant 3 : i32
    %dma_wait3A_186 = arith.constant 0 : i32
    %dma_wait3A_187 = arith.constant 0 : i32
    %dma_wait3A_188 = tpu.memref_slice %arg6[%dma_wait3A_185, %dma_wait3A_186, %dma_wait3A_187] : memref<4x128x64xf32, #tpu.memory_space<vmem>> -> memref<1x128x64xf32, #tpu.memory_space<vmem>>
    %dma_wait3A_189 = tpu.memref_squeeze %dma_wait3A_188 : memref<1x128x64xf32, #tpu.memory_space<vmem>> -> memref<128x64xf32, #tpu.memory_space<vmem>>
    %dma_wait3A_190 = arith.constant 0 : i32
    %dma_wait3A_191 = tpu.memref_slice %arg5[%dma_wait3A_184, %dma_wait3A_190] : memref<200x128xi32, #tpu.memory_space<vmem>> -> memref<1x128xi32, #tpu.memory_space<vmem>>
    %dma_wait3A_192 = tpu.memref_squeeze %dma_wait3A_191 : memref<1x128xi32, #tpu.memory_space<vmem>> -> memref<128xi32, #tpu.memory_space<vmem>>
    %dma_wait3A_193 = arith.constant 0 : i32
    %dma_wait3A_194 = arith.constant 0 : i32
    %dma_wait3A_195 = tpu.memref_slice %arg3[%dma_wait3A_193, %dma_wait3A_194] : memref<32000x64xf32, #tpu.memory_space<hbm>> -> memref<32000x64xf32, #tpu.memory_space<hbm>>
    tpu.wait_indirect_dma semaphore(%arg10 : memref<!tpu.dma_semaphore, #tpu.memory_space<semaphore_mem>>) src(%dma_wait3A_195 : memref<32000x64xf32, #tpu.memory_space<hbm>>) dst(%dma_wait3A_189 : memref<128x64xf32, #tpu.memory_space<vmem>>)
    %add3A_196 = arith.constant 384 : i32
    %add3A_197 = arith.addi %mul3A_2, %add3A_196 : i32
    %dma_start3A_198 = arith.constant 3 : i32
    %dma_start3A_199 = arith.constant 0 : i32
    %dma_start3A_200 = arith.constant 0 : i32
    %dma_start3A_201 = tpu.memref_slice %arg6[%dma_start3A_198, %dma_start3A_199, %dma_start3A_200] : memref<4x128x64xf32, #tpu.memory_space<vmem>> -> memref<1x128x64xf32, #tpu.memory_space<vmem>>
    %dma_start3A_202 = tpu.memref_squeeze %dma_start3A_201 : memref<1x128x64xf32, #tpu.memory_space<vmem>> -> memref<128x64xf32, #tpu.memory_space<vmem>>
    %dma_start3A_203 = arith.constant 0 : i32
    %dma_start3A_204 = tpu.memref_slice %arg4[%add3A_197, %dma_start3A_203] : memref<819200x64xf32, #tpu.memory_space<hbm>> -> memref<128x64xf32, #tpu.memory_space<hbm>>
    %dma_start3A_205 = arith.constant 0 : i32
    %dma_start3A_206 = tpu.memref_slice %arg4[%add3A_197, %dma_start3A_205] : memref<819200x64xf32, #tpu.memory_space<hbm>> -> memref<128x64xf32, #tpu.memory_space<hbm>>
    %dma_start3A_207 = arith.constant 0 : i32
    %dma_start3A_208 = arith.constant 0 : i32
    %dma_start3A_209 = tpu.memref_slice %arg6[%dma_start3A_198, %dma_start3A_207, %dma_start3A_208] : memref<4x128x64xf32, #tpu.memory_space<vmem>> -> memref<1x128x64xf32, #tpu.memory_space<vmem>>
    %dma_start3A_210 = tpu.memref_squeeze %dma_start3A_209 : memref<1x128x64xf32, #tpu.memory_space<vmem>> -> memref<128x64xf32, #tpu.memory_space<vmem>>
    tpu.enqueue_dma source(%dma_start3A_210 : memref<128x64xf32, #tpu.memory_space<vmem>>) target(%dma_start3A_206 : memref<128x64xf32, #tpu.memory_space<hbm>>) target_semaphore(%arg14 : memref<!tpu.dma_semaphore, #tpu.memory_space<semaphore_mem>>)
    %add3A_211 = arith.constant 256 : i32
    %add3A_212 = arith.addi %mul3A_2, %add3A_211 : i32
    %dma_wait3A_213 = arith.constant 2 : i32
    %dma_wait3A_214 = arith.constant 0 : i32
    %dma_wait3A_215 = arith.constant 0 : i32
    %dma_wait3A_216 = tpu.memref_slice %arg6[%dma_wait3A_213, %dma_wait3A_214, %dma_wait3A_215] : memref<4x128x64xf32, #tpu.memory_space<vmem>> -> memref<1x128x64xf32, #tpu.memory_space<vmem>>
    %dma_wait3A_217 = tpu.memref_squeeze %dma_wait3A_216 : memref<1x128x64xf32, #tpu.memory_space<vmem>> -> memref<128x64xf32, #tpu.memory_space<vmem>>
    %dma_wait3A_218 = arith.constant 0 : i32
    %dma_wait3A_219 = tpu.memref_slice %arg4[%add3A_212, %dma_wait3A_218] : memref<819200x64xf32, #tpu.memory_space<hbm>> -> memref<128x64xf32, #tpu.memory_space<hbm>>
    %dma_wait3A_220 = arith.constant 0 : i32
    %dma_wait3A_221 = tpu.memref_slice %arg4[%add3A_212, %dma_wait3A_220] : memref<819200x64xf32, #tpu.memory_space<hbm>> -> memref<128x64xf32, #tpu.memory_space<hbm>>
    %dma_wait3A_222 = arith.constant 0 : i32
    %dma_wait3A_223 = arith.constant 0 : i32
    %dma_wait3A_224 = tpu.memref_slice %arg6[%dma_wait3A_213, %dma_wait3A_222, %dma_wait3A_223] : memref<4x128x64xf32, #tpu.memory_space<vmem>> -> memref<1x128x64xf32, #tpu.memory_space<vmem>>
    %dma_wait3A_225 = tpu.memref_squeeze %dma_wait3A_224 : memref<1x128x64xf32, #tpu.memory_space<vmem>> -> memref<128x64xf32, #tpu.memory_space<vmem>>
    tpu.wait_dma2 semaphore(%arg13 : memref<!tpu.dma_semaphore, #tpu.memory_space<semaphore_mem>>) src(%dma_wait3A_225 : memref<128x64xf32, #tpu.memory_space<vmem>>) dst(%dma_wait3A_221 : memref<128x64xf32, #tpu.memory_space<hbm>>)
    %dma_start3A_226 = arith.constant 6 : i32
    %dma_start3A_227 = arith.constant 2 : i32
    %dma_start3A_228 = arith.constant 0 : i32
    %dma_start3A_229 = arith.constant 0 : i32
    %dma_start3A_230 = tpu.memref_slice %arg6[%dma_start3A_227, %dma_start3A_228, %dma_start3A_229] : memref<4x128x64xf32, #tpu.memory_space<vmem>> -> memref<1x128x64xf32, #tpu.memory_space<vmem>>
    %dma_start3A_231 = tpu.memref_squeeze %dma_start3A_230 : memref<1x128x64xf32, #tpu.memory_space<vmem>> -> memref<128x64xf32, #tpu.memory_space<vmem>>
    %dma_start3A_232 = arith.constant 0 : i32
    %dma_start3A_233 = tpu.memref_slice %arg5[%dma_start3A_226, %dma_start3A_232] : memref<200x128xi32, #tpu.memory_space<vmem>> -> memref<1x128xi32, #tpu.memory_space<vmem>>
    %dma_start3A_234 = tpu.memref_squeeze %dma_start3A_233 : memref<1x128xi32, #tpu.memory_space<vmem>> -> memref<128xi32, #tpu.memory_space<vmem>>
    %dma_start3A_235 = arith.constant 0 : i32
    %dma_start3A_236 = arith.constant 0 : i32
    %dma_start3A_237 = tpu.memref_slice %arg3[%dma_start3A_235, %dma_start3A_236] : memref<32000x64xf32, #tpu.memory_space<hbm>> -> memref<32000x64xf32, #tpu.memory_space<hbm>>
    tpu.enqueue_indirect_dma source(%dma_start3A_237 : memref<32000x64xf32, #tpu.memory_space<hbm>>) target(%dma_start3A_231 : memref<128x64xf32, #tpu.memory_space<vmem>>) offsets(%dma_start3A_234 : memref<128xi32, #tpu.memory_space<vmem>>) semaphore(%arg9 : memref<!tpu.dma_semaphore, #tpu.memory_space<semaphore_mem>>)
    %scan3A = arith.constant 0 : i32
    %scan3A_238 = arith.constant 48 : i32
    %scan3A_239 = arith.addi %scan3A, %scan3A_238 : i32
    %scan3A_240 = arith.constant 1 : i32
    scf.for %scan3A_437 = %scan3A to %scan3A_239 step %scan3A_240  : i32 {
      %mul3A_438 = arith.constant 4 : i32
      %mul3A_439 = arith.muli %scan3A_437, %mul3A_438 : i32
      %add3A_440 = arith.constant 4 : i32
      %add3A_441 = arith.addi %add3A_440, %mul3A_439 : i32
      %add3A_442 = arith.constant 0 : i32
      %add3A_443 = arith.addi %add3A_441, %add3A_442 : i32
      %dma_wait3A_444 = arith.constant 0 : i32
      %dma_wait3A_445 = arith.constant 0 : i32
      %dma_wait3A_446 = arith.constant 0 : i32
      %dma_wait3A_447 = tpu.memref_slice %arg6[%dma_wait3A_444, %dma_wait3A_445, %dma_wait3A_446] : memref<4x128x64xf32, #tpu.memory_space<vmem>> -> memref<1x128x64xf32, #tpu.memory_space<vmem>>
      %dma_wait3A_448 = tpu.memref_squeeze %dma_wait3A_447 : memref<1x128x64xf32, #tpu.memory_space<vmem>> -> memref<128x64xf32, #tpu.memory_space<vmem>>
      %dma_wait3A_449 = arith.constant 0 : i32
      %dma_wait3A_450 = tpu.memref_slice %arg5[%add3A_443, %dma_wait3A_449] : memref<200x128xi32, #tpu.memory_space<vmem>> -> memref<1x128xi32, #tpu.memory_space<vmem>>
      %dma_wait3A_451 = tpu.memref_squeeze %dma_wait3A_450 : memref<1x128xi32, #tpu.memory_space<vmem>> -> memref<128xi32, #tpu.memory_space<vmem>>
      %dma_wait3A_452 = arith.constant 0 : i32
      %dma_wait3A_453 = arith.constant 0 : i32
      %dma_wait3A_454 = tpu.memref_slice %arg3[%dma_wait3A_452, %dma_wait3A_453] : memref<32000x64xf32, #tpu.memory_space<hbm>> -> memref<32000x64xf32, #tpu.memory_space<hbm>>
      tpu.wait_indirect_dma semaphore(%arg7 : memref<!tpu.dma_semaphore, #tpu.memory_space<semaphore_mem>>) src(%dma_wait3A_454 : memref<32000x64xf32, #tpu.memory_space<hbm>>) dst(%dma_wait3A_448 : memref<128x64xf32, #tpu.memory_space<vmem>>)
      %mul3A_455 = arith.constant 128 : i32
      %mul3A_456 = arith.muli %add3A_443, %mul3A_455 : i32
      %add3A_457 = arith.addi %mul3A_2, %mul3A_456 : i32
      %dma_start3A_458 = arith.constant 0 : i32
      %dma_start3A_459 = arith.constant 0 : i32
      %dma_start3A_460 = arith.constant 0 : i32
      %dma_start3A_461 = tpu.memref_slice %arg6[%dma_start3A_458, %dma_start3A_459, %dma_start3A_460] : memref<4x128x64xf32, #tpu.memory_space<vmem>> -> memref<1x128x64xf32, #tpu.memory_space<vmem>>
      %dma_start3A_462 = tpu.memref_squeeze %dma_start3A_461 : memref<1x128x64xf32, #tpu.memory_space<vmem>> -> memref<128x64xf32, #tpu.memory_space<vmem>>
      %dma_start3A_463 = arith.constant 0 : i32
      %dma_start3A_464 = tpu.memref_slice %arg4[%add3A_457, %dma_start3A_463] : memref<819200x64xf32, #tpu.memory_space<hbm>> -> memref<128x64xf32, #tpu.memory_space<hbm>>
      %dma_start3A_465 = arith.constant 0 : i32
      %dma_start3A_466 = tpu.memref_slice %arg4[%add3A_457, %dma_start3A_465] : memref<819200x64xf32, #tpu.memory_space<hbm>> -> memref<128x64xf32, #tpu.memory_space<hbm>>
      %dma_start3A_467 = arith.constant 0 : i32
      %dma_start3A_468 = arith.constant 0 : i32
      %dma_start3A_469 = tpu.memref_slice %arg6[%dma_start3A_458, %dma_start3A_467, %dma_start3A_468] : memref<4x128x64xf32, #tpu.memory_space<vmem>> -> memref<1x128x64xf32, #tpu.memory_space<vmem>>
      %dma_start3A_470 = tpu.memref_squeeze %dma_start3A_469 : memref<1x128x64xf32, #tpu.memory_space<vmem>> -> memref<128x64xf32, #tpu.memory_space<vmem>>
      tpu.enqueue_dma source(%dma_start3A_470 : memref<128x64xf32, #tpu.memory_space<vmem>>) target(%dma_start3A_466 : memref<128x64xf32, #tpu.memory_space<hbm>>) target_semaphore(%arg11 : memref<!tpu.dma_semaphore, #tpu.memory_space<semaphore_mem>>)
      %sub3A = arith.constant 1 : i32
      %sub3A_471 = arith.subi %add3A_443, %sub3A : i32
      %mul3A_472 = arith.constant 128 : i32
      %mul3A_473 = arith.muli %sub3A_471, %mul3A_472 : i32
      %add3A_474 = arith.addi %mul3A_2, %mul3A_473 : i32
      %dma_wait3A_475 = arith.constant 3 : i32
      %dma_wait3A_476 = arith.constant 0 : i32
      %dma_wait3A_477 = arith.constant 0 : i32
      %dma_wait3A_478 = tpu.memref_slice %arg6[%dma_wait3A_475, %dma_wait3A_476, %dma_wait3A_477] : memref<4x128x64xf32, #tpu.memory_space<vmem>> -> memref<1x128x64xf32, #tpu.memory_space<vmem>>
      %dma_wait3A_479 = tpu.memref_squeeze %dma_wait3A_478 : memref<1x128x64xf32, #tpu.memory_space<vmem>> -> memref<128x64xf32, #tpu.memory_space<vmem>>
      %dma_wait3A_480 = arith.constant 0 : i32
      %dma_wait3A_481 = tpu.memref_slice %arg4[%add3A_474, %dma_wait3A_480] : memref<819200x64xf32, #tpu.memory_space<hbm>> -> memref<128x64xf32, #tpu.memory_space<hbm>>
      %dma_wait3A_482 = arith.constant 0 : i32
      %dma_wait3A_483 = tpu.memref_slice %arg4[%add3A_474, %dma_wait3A_482] : memref<819200x64xf32, #tpu.memory_space<hbm>> -> memref<128x64xf32, #tpu.memory_space<hbm>>
      %dma_wait3A_484 = arith.constant 0 : i32
      %dma_wait3A_485 = arith.constant 0 : i32
      %dma_wait3A_486 = tpu.memref_slice %arg6[%dma_wait3A_475, %dma_wait3A_484, %dma_wait3A_485] : memref<4x128x64xf32, #tpu.memory_space<vmem>> -> memref<1x128x64xf32, #tpu.memory_space<vmem>>
      %dma_wait3A_487 = tpu.memref_squeeze %dma_wait3A_486 : memref<1x128x64xf32, #tpu.memory_space<vmem>> -> memref<128x64xf32, #tpu.memory_space<vmem>>
      tpu.wait_dma2 semaphore(%arg14 : memref<!tpu.dma_semaphore, #tpu.memory_space<semaphore_mem>>) src(%dma_wait3A_487 : memref<128x64xf32, #tpu.memory_space<vmem>>) dst(%dma_wait3A_483 : memref<128x64xf32, #tpu.memory_space<hbm>>)
      %add3A_488 = arith.constant 4 : i32
      %add3A_489 = arith.addi %add3A_443, %add3A_488 : i32
      %sub3A_490 = arith.constant 1 : i32
      %sub3A_491 = arith.subi %add3A_489, %sub3A_490 : i32
      %dma_start3A_492 = arith.constant 3 : i32
      %dma_start3A_493 = arith.constant 0 : i32
      %dma_start3A_494 = arith.constant 0 : i32
      %dma_start3A_495 = tpu.memref_slice %arg6[%dma_start3A_492, %dma_start3A_493, %dma_start3A_494] : memref<4x128x64xf32, #tpu.memory_space<vmem>> -> memref<1x128x64xf32, #tpu.memory_space<vmem>>
      %dma_start3A_496 = tpu.memref_squeeze %dma_start3A_495 : memref<1x128x64xf32, #tpu.memory_space<vmem>> -> memref<128x64xf32, #tpu.memory_space<vmem>>
      %dma_start3A_497 = arith.constant 0 : i32
      %dma_start3A_498 = tpu.memref_slice %arg5[%sub3A_491, %dma_start3A_497] : memref<200x128xi32, #tpu.memory_space<vmem>> -> memref<1x128xi32, #tpu.memory_space<vmem>>
      %dma_start3A_499 = tpu.memref_squeeze %dma_start3A_498 : memref<1x128xi32, #tpu.memory_space<vmem>> -> memref<128xi32, #tpu.memory_space<vmem>>
      %dma_start3A_500 = arith.constant 0 : i32
      %dma_start3A_501 = arith.constant 0 : i32
      %dma_start3A_502 = tpu.memref_slice %arg3[%dma_start3A_500, %dma_start3A_501] : memref<32000x64xf32, #tpu.memory_space<hbm>> -> memref<32000x64xf32, #tpu.memory_space<hbm>>
      tpu.enqueue_indirect_dma source(%dma_start3A_502 : memref<32000x64xf32, #tpu.memory_space<hbm>>) target(%dma_start3A_496 : memref<128x64xf32, #tpu.memory_space<vmem>>) offsets(%dma_start3A_499 : memref<128xi32, #tpu.memory_space<vmem>>) semaphore(%arg10 : memref<!tpu.dma_semaphore, #tpu.memory_space<semaphore_mem>>)
      %add3A_503 = arith.constant 1 : i32
      %add3A_504 = arith.addi %add3A_441, %add3A_503 : i32
      %dma_wait3A_505 = arith.constant 1 : i32
      %dma_wait3A_506 = arith.constant 0 : i32
      %dma_wait3A_507 = arith.constant 0 : i32
      %dma_wait3A_508 = tpu.memref_slice %arg6[%dma_wait3A_505, %dma_wait3A_506, %dma_wait3A_507] : memref<4x128x64xf32, #tpu.memory_space<vmem>> -> memref<1x128x64xf32, #tpu.memory_space<vmem>>
      %dma_wait3A_509 = tpu.memref_squeeze %dma_wait3A_508 : memref<1x128x64xf32, #tpu.memory_space<vmem>> -> memref<128x64xf32, #tpu.memory_space<vmem>>
      %dma_wait3A_510 = arith.constant 0 : i32
      %dma_wait3A_511 = tpu.memref_slice %arg5[%add3A_504, %dma_wait3A_510] : memref<200x128xi32, #tpu.memory_space<vmem>> -> memref<1x128xi32, #tpu.memory_space<vmem>>
      %dma_wait3A_512 = tpu.memref_squeeze %dma_wait3A_511 : memref<1x128xi32, #tpu.memory_space<vmem>> -> memref<128xi32, #tpu.memory_space<vmem>>
      %dma_wait3A_513 = arith.constant 0 : i32
      %dma_wait3A_514 = arith.constant 0 : i32
      %dma_wait3A_515 = tpu.memref_slice %arg3[%dma_wait3A_513, %dma_wait3A_514] : memref<32000x64xf32, #tpu.memory_space<hbm>> -> memref<32000x64xf32, #tpu.memory_space<hbm>>
      tpu.wait_indirect_dma semaphore(%arg8 : memref<!tpu.dma_semaphore, #tpu.memory_space<semaphore_mem>>) src(%dma_wait3A_515 : memref<32000x64xf32, #tpu.memory_space<hbm>>) dst(%dma_wait3A_509 : memref<128x64xf32, #tpu.memory_space<vmem>>)
      %mul3A_516 = arith.constant 128 : i32
      %mul3A_517 = arith.muli %add3A_504, %mul3A_516 : i32
      %add3A_518 = arith.addi %mul3A_2, %mul3A_517 : i32
      %dma_start3A_519 = arith.constant 1 : i32
      %dma_start3A_520 = arith.constant 0 : i32
      %dma_start3A_521 = arith.constant 0 : i32
      %dma_start3A_522 = tpu.memref_slice %arg6[%dma_start3A_519, %dma_start3A_520, %dma_start3A_521] : memref<4x128x64xf32, #tpu.memory_space<vmem>> -> memref<1x128x64xf32, #tpu.memory_space<vmem>>
      %dma_start3A_523 = tpu.memref_squeeze %dma_start3A_522 : memref<1x128x64xf32, #tpu.memory_space<vmem>> -> memref<128x64xf32, #tpu.memory_space<vmem>>
      %dma_start3A_524 = arith.constant 0 : i32
      %dma_start3A_525 = tpu.memref_slice %arg4[%add3A_518, %dma_start3A_524] : memref<819200x64xf32, #tpu.memory_space<hbm>> -> memref<128x64xf32, #tpu.memory_space<hbm>>
      %dma_start3A_526 = arith.constant 0 : i32
      %dma_start3A_527 = tpu.memref_slice %arg4[%add3A_518, %dma_start3A_526] : memref<819200x64xf32, #tpu.memory_space<hbm>> -> memref<128x64xf32, #tpu.memory_space<hbm>>
      %dma_start3A_528 = arith.constant 0 : i32
      %dma_start3A_529 = arith.constant 0 : i32
      %dma_start3A_530 = tpu.memref_slice %arg6[%dma_start3A_519, %dma_start3A_528, %dma_start3A_529] : memref<4x128x64xf32, #tpu.memory_space<vmem>> -> memref<1x128x64xf32, #tpu.memory_space<vmem>>
      %dma_start3A_531 = tpu.memref_squeeze %dma_start3A_530 : memref<1x128x64xf32, #tpu.memory_space<vmem>> -> memref<128x64xf32, #tpu.memory_space<vmem>>
      tpu.enqueue_dma source(%dma_start3A_531 : memref<128x64xf32, #tpu.memory_space<vmem>>) target(%dma_start3A_527 : memref<128x64xf32, #tpu.memory_space<hbm>>) target_semaphore(%arg12 : memref<!tpu.dma_semaphore, #tpu.memory_space<semaphore_mem>>)
      %sub3A_532 = arith.constant 1 : i32
      %sub3A_533 = arith.subi %add3A_504, %sub3A_532 : i32
      %mul3A_534 = arith.constant 128 : i32
      %mul3A_535 = arith.muli %sub3A_533, %mul3A_534 : i32
      %add3A_536 = arith.addi %mul3A_2, %mul3A_535 : i32
      %dma_wait3A_537 = arith.constant 0 : i32
      %dma_wait3A_538 = arith.constant 0 : i32
      %dma_wait3A_539 = arith.constant 0 : i32
      %dma_wait3A_540 = tpu.memref_slice %arg6[%dma_wait3A_537, %dma_wait3A_538, %dma_wait3A_539] : memref<4x128x64xf32, #tpu.memory_space<vmem>> -> memref<1x128x64xf32, #tpu.memory_space<vmem>>
      %dma_wait3A_541 = tpu.memref_squeeze %dma_wait3A_540 : memref<1x128x64xf32, #tpu.memory_space<vmem>> -> memref<128x64xf32, #tpu.memory_space<vmem>>
      %dma_wait3A_542 = arith.constant 0 : i32
      %dma_wait3A_543 = tpu.memref_slice %arg4[%add3A_536, %dma_wait3A_542] : memref<819200x64xf32, #tpu.memory_space<hbm>> -> memref<128x64xf32, #tpu.memory_space<hbm>>
      %dma_wait3A_544 = arith.constant 0 : i32
      %dma_wait3A_545 = tpu.memref_slice %arg4[%add3A_536, %dma_wait3A_544] : memref<819200x64xf32, #tpu.memory_space<hbm>> -> memref<128x64xf32, #tpu.memory_space<hbm>>
      %dma_wait3A_546 = arith.constant 0 : i32
      %dma_wait3A_547 = arith.constant 0 : i32
      %dma_wait3A_548 = tpu.memref_slice %arg6[%dma_wait3A_537, %dma_wait3A_546, %dma_wait3A_547] : memref<4x128x64xf32, #tpu.memory_space<vmem>> -> memref<1x128x64xf32, #tpu.memory_space<vmem>>
      %dma_wait3A_549 = tpu.memref_squeeze %dma_wait3A_548 : memref<1x128x64xf32, #tpu.memory_space<vmem>> -> memref<128x64xf32, #tpu.memory_space<vmem>>
      tpu.wait_dma2 semaphore(%arg11 : memref<!tpu.dma_semaphore, #tpu.memory_space<semaphore_mem>>) src(%dma_wait3A_549 : memref<128x64xf32, #tpu.memory_space<vmem>>) dst(%dma_wait3A_545 : memref<128x64xf32, #tpu.memory_space<hbm>>)
      %add3A_550 = arith.constant 4 : i32
      %add3A_551 = arith.addi %add3A_504, %add3A_550 : i32
      %sub3A_552 = arith.constant 1 : i32
      %sub3A_553 = arith.subi %add3A_551, %sub3A_552 : i32
      %dma_start3A_554 = arith.constant 0 : i32
      %dma_start3A_555 = arith.constant 0 : i32
      %dma_start3A_556 = arith.constant 0 : i32
      %dma_start3A_557 = tpu.memref_slice %arg6[%dma_start3A_554, %dma_start3A_555, %dma_start3A_556] : memref<4x128x64xf32, #tpu.memory_space<vmem>> -> memref<1x128x64xf32, #tpu.memory_space<vmem>>
      %dma_start3A_558 = tpu.memref_squeeze %dma_start3A_557 : memref<1x128x64xf32, #tpu.memory_space<vmem>> -> memref<128x64xf32, #tpu.memory_space<vmem>>
      %dma_start3A_559 = arith.constant 0 : i32
      %dma_start3A_560 = tpu.memref_slice %arg5[%sub3A_553, %dma_start3A_559] : memref<200x128xi32, #tpu.memory_space<vmem>> -> memref<1x128xi32, #tpu.memory_space<vmem>>
      %dma_start3A_561 = tpu.memref_squeeze %dma_start3A_560 : memref<1x128xi32, #tpu.memory_space<vmem>> -> memref<128xi32, #tpu.memory_space<vmem>>
      %dma_start3A_562 = arith.constant 0 : i32
      %dma_start3A_563 = arith.constant 0 : i32
      %dma_start3A_564 = tpu.memref_slice %arg3[%dma_start3A_562, %dma_start3A_563] : memref<32000x64xf32, #tpu.memory_space<hbm>> -> memref<32000x64xf32, #tpu.memory_space<hbm>>
      tpu.enqueue_indirect_dma source(%dma_start3A_564 : memref<32000x64xf32, #tpu.memory_space<hbm>>) target(%dma_start3A_558 : memref<128x64xf32, #tpu.memory_space<vmem>>) offsets(%dma_start3A_561 : memref<128xi32, #tpu.memory_space<vmem>>) semaphore(%arg7 : memref<!tpu.dma_semaphore, #tpu.memory_space<semaphore_mem>>)
      %add3A_565 = arith.constant 2 : i32
      %add3A_566 = arith.addi %add3A_441, %add3A_565 : i32
      %dma_wait3A_567 = arith.constant 2 : i32
      %dma_wait3A_568 = arith.constant 0 : i32
      %dma_wait3A_569 = arith.constant 0 : i32
      %dma_wait3A_570 = tpu.memref_slice %arg6[%dma_wait3A_567, %dma_wait3A_568, %dma_wait3A_569] : memref<4x128x64xf32, #tpu.memory_space<vmem>> -> memref<1x128x64xf32, #tpu.memory_space<vmem>>
      %dma_wait3A_571 = tpu.memref_squeeze %dma_wait3A_570 : memref<1x128x64xf32, #tpu.memory_space<vmem>> -> memref<128x64xf32, #tpu.memory_space<vmem>>
      %dma_wait3A_572 = arith.constant 0 : i32
      %dma_wait3A_573 = tpu.memref_slice %arg5[%add3A_566, %dma_wait3A_572] : memref<200x128xi32, #tpu.memory_space<vmem>> -> memref<1x128xi32, #tpu.memory_space<vmem>>
      %dma_wait3A_574 = tpu.memref_squeeze %dma_wait3A_573 : memref<1x128xi32, #tpu.memory_space<vmem>> -> memref<128xi32, #tpu.memory_space<vmem>>
      %dma_wait3A_575 = arith.constant 0 : i32
      %dma_wait3A_576 = arith.constant 0 : i32
      %dma_wait3A_577 = tpu.memref_slice %arg3[%dma_wait3A_575, %dma_wait3A_576] : memref<32000x64xf32, #tpu.memory_space<hbm>> -> memref<32000x64xf32, #tpu.memory_space<hbm>>
      tpu.wait_indirect_dma semaphore(%arg9 : memref<!tpu.dma_semaphore, #tpu.memory_space<semaphore_mem>>) src(%dma_wait3A_577 : memref<32000x64xf32, #tpu.memory_space<hbm>>) dst(%dma_wait3A_571 : memref<128x64xf32, #tpu.memory_space<vmem>>)
      %mul3A_578 = arith.constant 128 : i32
      %mul3A_579 = arith.muli %add3A_566, %mul3A_578 : i32
      %add3A_580 = arith.addi %mul3A_2, %mul3A_579 : i32
      %dma_start3A_581 = arith.constant 2 : i32
      %dma_start3A_582 = arith.constant 0 : i32
      %dma_start3A_583 = arith.constant 0 : i32
      %dma_start3A_584 = tpu.memref_slice %arg6[%dma_start3A_581, %dma_start3A_582, %dma_start3A_583] : memref<4x128x64xf32, #tpu.memory_space<vmem>> -> memref<1x128x64xf32, #tpu.memory_space<vmem>>
      %dma_start3A_585 = tpu.memref_squeeze %dma_start3A_584 : memref<1x128x64xf32, #tpu.memory_space<vmem>> -> memref<128x64xf32, #tpu.memory_space<vmem>>
      %dma_start3A_586 = arith.constant 0 : i32
      %dma_start3A_587 = tpu.memref_slice %arg4[%add3A_580, %dma_start3A_586] : memref<819200x64xf32, #tpu.memory_space<hbm>> -> memref<128x64xf32, #tpu.memory_space<hbm>>
      %dma_start3A_588 = arith.constant 0 : i32
      %dma_start3A_589 = tpu.memref_slice %arg4[%add3A_580, %dma_start3A_588] : memref<819200x64xf32, #tpu.memory_space<hbm>> -> memref<128x64xf32, #tpu.memory_space<hbm>>
      %dma_start3A_590 = arith.constant 0 : i32
      %dma_start3A_591 = arith.constant 0 : i32
      %dma_start3A_592 = tpu.memref_slice %arg6[%dma_start3A_581, %dma_start3A_590, %dma_start3A_591] : memref<4x128x64xf32, #tpu.memory_space<vmem>> -> memref<1x128x64xf32, #tpu.memory_space<vmem>>
      %dma_start3A_593 = tpu.memref_squeeze %dma_start3A_592 : memref<1x128x64xf32, #tpu.memory_space<vmem>> -> memref<128x64xf32, #tpu.memory_space<vmem>>
      tpu.enqueue_dma source(%dma_start3A_593 : memref<128x64xf32, #tpu.memory_space<vmem>>) target(%dma_start3A_589 : memref<128x64xf32, #tpu.memory_space<hbm>>) target_semaphore(%arg13 : memref<!tpu.dma_semaphore, #tpu.memory_space<semaphore_mem>>)
      %sub3A_594 = arith.constant 1 : i32
      %sub3A_595 = arith.subi %add3A_566, %sub3A_594 : i32
      %mul3A_596 = arith.constant 128 : i32
      %mul3A_597 = arith.muli %sub3A_595, %mul3A_596 : i32
      %add3A_598 = arith.addi %mul3A_2, %mul3A_597 : i32
      %dma_wait3A_599 = arith.constant 1 : i32
      %dma_wait3A_600 = arith.constant 0 : i32
      %dma_wait3A_601 = arith.constant 0 : i32
      %dma_wait3A_602 = tpu.memref_slice %arg6[%dma_wait3A_599, %dma_wait3A_600, %dma_wait3A_601] : memref<4x128x64xf32, #tpu.memory_space<vmem>> -> memref<1x128x64xf32, #tpu.memory_space<vmem>>
      %dma_wait3A_603 = tpu.memref_squeeze %dma_wait3A_602 : memref<1x128x64xf32, #tpu.memory_space<vmem>> -> memref<128x64xf32, #tpu.memory_space<vmem>>
      %dma_wait3A_604 = arith.constant 0 : i32
      %dma_wait3A_605 = tpu.memref_slice %arg4[%add3A_598, %dma_wait3A_604] : memref<819200x64xf32, #tpu.memory_space<hbm>> -> memref<128x64xf32, #tpu.memory_space<hbm>>
      %dma_wait3A_606 = arith.constant 0 : i32
      %dma_wait3A_607 = tpu.memref_slice %arg4[%add3A_598, %dma_wait3A_606] : memref<819200x64xf32, #tpu.memory_space<hbm>> -> memref<128x64xf32, #tpu.memory_space<hbm>>
      %dma_wait3A_608 = arith.constant 0 : i32
      %dma_wait3A_609 = arith.constant 0 : i32
      %dma_wait3A_610 = tpu.memref_slice %arg6[%dma_wait3A_599, %dma_wait3A_608, %dma_wait3A_609] : memref<4x128x64xf32, #tpu.memory_space<vmem>> -> memref<1x128x64xf32, #tpu.memory_space<vmem>>
      %dma_wait3A_611 = tpu.memref_squeeze %dma_wait3A_610 : memref<1x128x64xf32, #tpu.memory_space<vmem>> -> memref<128x64xf32, #tpu.memory_space<vmem>>
      tpu.wait_dma2 semaphore(%arg12 : memref<!tpu.dma_semaphore, #tpu.memory_space<semaphore_mem>>) src(%dma_wait3A_611 : memref<128x64xf32, #tpu.memory_space<vmem>>) dst(%dma_wait3A_607 : memref<128x64xf32, #tpu.memory_space<hbm>>)
      %add3A_612 = arith.constant 4 : i32
      %add3A_613 = arith.addi %add3A_566, %add3A_612 : i32
      %sub3A_614 = arith.constant 1 : i32
      %sub3A_615 = arith.subi %add3A_613, %sub3A_614 : i32
      %dma_start3A_616 = arith.constant 1 : i32
      %dma_start3A_617 = arith.constant 0 : i32
      %dma_start3A_618 = arith.constant 0 : i32
      %dma_start3A_619 = tpu.memref_slice %arg6[%dma_start3A_616, %dma_start3A_617, %dma_start3A_618] : memref<4x128x64xf32, #tpu.memory_space<vmem>> -> memref<1x128x64xf32, #tpu.memory_space<vmem>>
      %dma_start3A_620 = tpu.memref_squeeze %dma_start3A_619 : memref<1x128x64xf32, #tpu.memory_space<vmem>> -> memref<128x64xf32, #tpu.memory_space<vmem>>
      %dma_start3A_621 = arith.constant 0 : i32
      %dma_start3A_622 = tpu.memref_slice %arg5[%sub3A_615, %dma_start3A_621] : memref<200x128xi32, #tpu.memory_space<vmem>> -> memref<1x128xi32, #tpu.memory_space<vmem>>
      %dma_start3A_623 = tpu.memref_squeeze %dma_start3A_622 : memref<1x128xi32, #tpu.memory_space<vmem>> -> memref<128xi32, #tpu.memory_space<vmem>>
      %dma_start3A_624 = arith.constant 0 : i32
      %dma_start3A_625 = arith.constant 0 : i32
      %dma_start3A_626 = tpu.memref_slice %arg3[%dma_start3A_624, %dma_start3A_625] : memref<32000x64xf32, #tpu.memory_space<hbm>> -> memref<32000x64xf32, #tpu.memory_space<hbm>>
      tpu.enqueue_indirect_dma source(%dma_start3A_626 : memref<32000x64xf32, #tpu.memory_space<hbm>>) target(%dma_start3A_620 : memref<128x64xf32, #tpu.memory_space<vmem>>) offsets(%dma_start3A_623 : memref<128xi32, #tpu.memory_space<vmem>>) semaphore(%arg8 : memref<!tpu.dma_semaphore, #tpu.memory_space<semaphore_mem>>)
      %add3A_627 = arith.constant 3 : i32
      %add3A_628 = arith.addi %add3A_441, %add3A_627 : i32
      %dma_wait3A_629 = arith.constant 3 : i32
      %dma_wait3A_630 = arith.constant 0 : i32
      %dma_wait3A_631 = arith.constant 0 : i32
      %dma_wait3A_632 = tpu.memref_slice %arg6[%dma_wait3A_629, %dma_wait3A_630, %dma_wait3A_631] : memref<4x128x64xf32, #tpu.memory_space<vmem>> -> memref<1x128x64xf32, #tpu.memory_space<vmem>>
      %dma_wait3A_633 = tpu.memref_squeeze %dma_wait3A_632 : memref<1x128x64xf32, #tpu.memory_space<vmem>> -> memref<128x64xf32, #tpu.memory_space<vmem>>
      %dma_wait3A_634 = arith.constant 0 : i32
      %dma_wait3A_635 = tpu.memref_slice %arg5[%add3A_628, %dma_wait3A_634] : memref<200x128xi32, #tpu.memory_space<vmem>> -> memref<1x128xi32, #tpu.memory_space<vmem>>
      %dma_wait3A_636 = tpu.memref_squeeze %dma_wait3A_635 : memref<1x128xi32, #tpu.memory_space<vmem>> -> memref<128xi32, #tpu.memory_space<vmem>>
      %dma_wait3A_637 = arith.constant 0 : i32
      %dma_wait3A_638 = arith.constant 0 : i32
      %dma_wait3A_639 = tpu.memref_slice %arg3[%dma_wait3A_637, %dma_wait3A_638] : memref<32000x64xf32, #tpu.memory_space<hbm>> -> memref<32000x64xf32, #tpu.memory_space<hbm>>
      tpu.wait_indirect_dma semaphore(%arg10 : memref<!tpu.dma_semaphore, #tpu.memory_space<semaphore_mem>>) src(%dma_wait3A_639 : memref<32000x64xf32, #tpu.memory_space<hbm>>) dst(%dma_wait3A_633 : memref<128x64xf32, #tpu.memory_space<vmem>>)
      %mul3A_640 = arith.constant 128 : i32
      %mul3A_641 = arith.muli %add3A_628, %mul3A_640 : i32
      %add3A_642 = arith.addi %mul3A_2, %mul3A_641 : i32
      %dma_start3A_643 = arith.constant 3 : i32
      %dma_start3A_644 = arith.constant 0 : i32
      %dma_start3A_645 = arith.constant 0 : i32
      %dma_start3A_646 = tpu.memref_slice %arg6[%dma_start3A_643, %dma_start3A_644, %dma_start3A_645] : memref<4x128x64xf32, #tpu.memory_space<vmem>> -> memref<1x128x64xf32, #tpu.memory_space<vmem>>
      %dma_start3A_647 = tpu.memref_squeeze %dma_start3A_646 : memref<1x128x64xf32, #tpu.memory_space<vmem>> -> memref<128x64xf32, #tpu.memory_space<vmem>>
      %dma_start3A_648 = arith.constant 0 : i32
      %dma_start3A_649 = tpu.memref_slice %arg4[%add3A_642, %dma_start3A_648] : memref<819200x64xf32, #tpu.memory_space<hbm>> -> memref<128x64xf32, #tpu.memory_space<hbm>>
      %dma_start3A_650 = arith.constant 0 : i32
      %dma_start3A_651 = tpu.memref_slice %arg4[%add3A_642, %dma_start3A_650] : memref<819200x64xf32, #tpu.memory_space<hbm>> -> memref<128x64xf32, #tpu.memory_space<hbm>>
      %dma_start3A_652 = arith.constant 0 : i32
      %dma_start3A_653 = arith.constant 0 : i32
      %dma_start3A_654 = tpu.memref_slice %arg6[%dma_start3A_643, %dma_start3A_652, %dma_start3A_653] : memref<4x128x64xf32, #tpu.memory_space<vmem>> -> memref<1x128x64xf32, #tpu.memory_space<vmem>>
      %dma_start3A_655 = tpu.memref_squeeze %dma_start3A_654 : memref<1x128x64xf32, #tpu.memory_space<vmem>> -> memref<128x64xf32, #tpu.memory_space<vmem>>
      tpu.enqueue_dma source(%dma_start3A_655 : memref<128x64xf32, #tpu.memory_space<vmem>>) target(%dma_start3A_651 : memref<128x64xf32, #tpu.memory_space<hbm>>) target_semaphore(%arg14 : memref<!tpu.dma_semaphore, #tpu.memory_space<semaphore_mem>>)
      %sub3A_656 = arith.constant 1 : i32
      %sub3A_657 = arith.subi %add3A_628, %sub3A_656 : i32
      %mul3A_658 = arith.constant 128 : i32
      %mul3A_659 = arith.muli %sub3A_657, %mul3A_658 : i32
      %add3A_660 = arith.addi %mul3A_2, %mul3A_659 : i32
      %dma_wait3A_661 = arith.constant 2 : i32
      %dma_wait3A_662 = arith.constant 0 : i32
      %dma_wait3A_663 = arith.constant 0 : i32
      %dma_wait3A_664 = tpu.memref_slice %arg6[%dma_wait3A_661, %dma_wait3A_662, %dma_wait3A_663] : memref<4x128x64xf32, #tpu.memory_space<vmem>> -> memref<1x128x64xf32, #tpu.memory_space<vmem>>
      %dma_wait3A_665 = tpu.memref_squeeze %dma_wait3A_664 : memref<1x128x64xf32, #tpu.memory_space<vmem>> -> memref<128x64xf32, #tpu.memory_space<vmem>>
      %dma_wait3A_666 = arith.constant 0 : i32
      %dma_wait3A_667 = tpu.memref_slice %arg4[%add3A_660, %dma_wait3A_666] : memref<819200x64xf32, #tpu.memory_space<hbm>> -> memref<128x64xf32, #tpu.memory_space<hbm>>
      %dma_wait3A_668 = arith.constant 0 : i32
      %dma_wait3A_669 = tpu.memref_slice %arg4[%add3A_660, %dma_wait3A_668] : memref<819200x64xf32, #tpu.memory_space<hbm>> -> memref<128x64xf32, #tpu.memory_space<hbm>>
      %dma_wait3A_670 = arith.constant 0 : i32
      %dma_wait3A_671 = arith.constant 0 : i32
      %dma_wait3A_672 = tpu.memref_slice %arg6[%dma_wait3A_661, %dma_wait3A_670, %dma_wait3A_671] : memref<4x128x64xf32, #tpu.memory_space<vmem>> -> memref<1x128x64xf32, #tpu.memory_space<vmem>>
      %dma_wait3A_673 = tpu.memref_squeeze %dma_wait3A_672 : memref<1x128x64xf32, #tpu.memory_space<vmem>> -> memref<128x64xf32, #tpu.memory_space<vmem>>
      tpu.wait_dma2 semaphore(%arg13 : memref<!tpu.dma_semaphore, #tpu.memory_space<semaphore_mem>>) src(%dma_wait3A_673 : memref<128x64xf32, #tpu.memory_space<vmem>>) dst(%dma_wait3A_669 : memref<128x64xf32, #tpu.memory_space<hbm>>)
      %add3A_674 = arith.constant 4 : i32
      %add3A_675 = arith.addi %add3A_628, %add3A_674 : i32
      %sub3A_676 = arith.constant 1 : i32
      %sub3A_677 = arith.subi %add3A_675, %sub3A_676 : i32
      %dma_start3A_678 = arith.constant 2 : i32
      %dma_start3A_679 = arith.constant 0 : i32
      %dma_start3A_680 = arith.constant 0 : i32
      %dma_start3A_681 = tpu.memref_slice %arg6[%dma_start3A_678, %dma_start3A_679, %dma_start3A_680] : memref<4x128x64xf32, #tpu.memory_space<vmem>> -> memref<1x128x64xf32, #tpu.memory_space<vmem>>
      %dma_start3A_682 = tpu.memref_squeeze %dma_start3A_681 : memref<1x128x64xf32, #tpu.memory_space<vmem>> -> memref<128x64xf32, #tpu.memory_space<vmem>>
      %dma_start3A_683 = arith.constant 0 : i32
      %dma_start3A_684 = tpu.memref_slice %arg5[%sub3A_677, %dma_start3A_683] : memref<200x128xi32, #tpu.memory_space<vmem>> -> memref<1x128xi32, #tpu.memory_space<vmem>>
      %dma_start3A_685 = tpu.memref_squeeze %dma_start3A_684 : memref<1x128xi32, #tpu.memory_space<vmem>> -> memref<128xi32, #tpu.memory_space<vmem>>
      %dma_start3A_686 = arith.constant 0 : i32
      %dma_start3A_687 = arith.constant 0 : i32
      %dma_start3A_688 = tpu.memref_slice %arg3[%dma_start3A_686, %dma_start3A_687] : memref<32000x64xf32, #tpu.memory_space<hbm>> -> memref<32000x64xf32, #tpu.memory_space<hbm>>
      tpu.enqueue_indirect_dma source(%dma_start3A_688 : memref<32000x64xf32, #tpu.memory_space<hbm>>) target(%dma_start3A_682 : memref<128x64xf32, #tpu.memory_space<vmem>>) offsets(%dma_start3A_685 : memref<128xi32, #tpu.memory_space<vmem>>) semaphore(%arg9 : memref<!tpu.dma_semaphore, #tpu.memory_space<semaphore_mem>>)
    }
    %scan3A_241 = arith.constant 48 : i32
    %dma_wait3A_242 = arith.constant 196 : i32
    %dma_wait3A_243 = arith.constant 0 : i32
    %dma_wait3A_244 = arith.constant 0 : i32
    %dma_wait3A_245 = arith.constant 0 : i32
    %dma_wait3A_246 = tpu.memref_slice %arg6[%dma_wait3A_243, %dma_wait3A_244, %dma_wait3A_245] : memref<4x128x64xf32, #tpu.memory_space<vmem>> -> memref<1x128x64xf32, #tpu.memory_space<vmem>>
    %dma_wait3A_247 = tpu.memref_squeeze %dma_wait3A_246 : memref<1x128x64xf32, #tpu.memory_space<vmem>> -> memref<128x64xf32, #tpu.memory_space<vmem>>
    %dma_wait3A_248 = arith.constant 0 : i32
    %dma_wait3A_249 = tpu.memref_slice %arg5[%dma_wait3A_242, %dma_wait3A_248] : memref<200x128xi32, #tpu.memory_space<vmem>> -> memref<1x128xi32, #tpu.memory_space<vmem>>
    %dma_wait3A_250 = tpu.memref_squeeze %dma_wait3A_249 : memref<1x128xi32, #tpu.memory_space<vmem>> -> memref<128xi32, #tpu.memory_space<vmem>>
    %dma_wait3A_251 = arith.constant 0 : i32
    %dma_wait3A_252 = arith.constant 0 : i32
    %dma_wait3A_253 = tpu.memref_slice %arg3[%dma_wait3A_251, %dma_wait3A_252] : memref<32000x64xf32, #tpu.memory_space<hbm>> -> memref<32000x64xf32, #tpu.memory_space<hbm>>
    tpu.wait_indirect_dma semaphore(%arg7 : memref<!tpu.dma_semaphore, #tpu.memory_space<semaphore_mem>>) src(%dma_wait3A_253 : memref<32000x64xf32, #tpu.memory_space<hbm>>) dst(%dma_wait3A_247 : memref<128x64xf32, #tpu.memory_space<vmem>>)
    %add3A_254 = arith.constant 25088 : i32
    %add3A_255 = arith.addi %mul3A_2, %add3A_254 : i32
    %dma_start3A_256 = arith.constant 0 : i32
    %dma_start3A_257 = arith.constant 0 : i32
    %dma_start3A_258 = arith.constant 0 : i32
    %dma_start3A_259 = tpu.memref_slice %arg6[%dma_start3A_256, %dma_start3A_257, %dma_start3A_258] : memref<4x128x64xf32, #tpu.memory_space<vmem>> -> memref<1x128x64xf32, #tpu.memory_space<vmem>>
    %dma_start3A_260 = tpu.memref_squeeze %dma_start3A_259 : memref<1x128x64xf32, #tpu.memory_space<vmem>> -> memref<128x64xf32, #tpu.memory_space<vmem>>
    %dma_start3A_261 = arith.constant 0 : i32
    %dma_start3A_262 = tpu.memref_slice %arg4[%add3A_255, %dma_start3A_261] : memref<819200x64xf32, #tpu.memory_space<hbm>> -> memref<128x64xf32, #tpu.memory_space<hbm>>
    %dma_start3A_263 = arith.constant 0 : i32
    %dma_start3A_264 = tpu.memref_slice %arg4[%add3A_255, %dma_start3A_263] : memref<819200x64xf32, #tpu.memory_space<hbm>> -> memref<128x64xf32, #tpu.memory_space<hbm>>
    %dma_start3A_265 = arith.constant 0 : i32
    %dma_start3A_266 = arith.constant 0 : i32
    %dma_start3A_267 = tpu.memref_slice %arg6[%dma_start3A_256, %dma_start3A_265, %dma_start3A_266] : memref<4x128x64xf32, #tpu.memory_space<vmem>> -> memref<1x128x64xf32, #tpu.memory_space<vmem>>
    %dma_start3A_268 = tpu.memref_squeeze %dma_start3A_267 : memref<1x128x64xf32, #tpu.memory_space<vmem>> -> memref<128x64xf32, #tpu.memory_space<vmem>>
    tpu.enqueue_dma source(%dma_start3A_268 : memref<128x64xf32, #tpu.memory_space<vmem>>) target(%dma_start3A_264 : memref<128x64xf32, #tpu.memory_space<hbm>>) target_semaphore(%arg11 : memref<!tpu.dma_semaphore, #tpu.memory_space<semaphore_mem>>)
    %add3A_269 = arith.constant 24960 : i32
    %add3A_270 = arith.addi %mul3A_2, %add3A_269 : i32
    %dma_wait3A_271 = arith.constant 3 : i32
    %dma_wait3A_272 = arith.constant 0 : i32
    %dma_wait3A_273 = arith.constant 0 : i32
    %dma_wait3A_274 = tpu.memref_slice %arg6[%dma_wait3A_271, %dma_wait3A_272, %dma_wait3A_273] : memref<4x128x64xf32, #tpu.memory_space<vmem>> -> memref<1x128x64xf32, #tpu.memory_space<vmem>>
    %dma_wait3A_275 = tpu.memref_squeeze %dma_wait3A_274 : memref<1x128x64xf32, #tpu.memory_space<vmem>> -> memref<128x64xf32, #tpu.memory_space<vmem>>
    %dma_wait3A_276 = arith.constant 0 : i32
    %dma_wait3A_277 = tpu.memref_slice %arg4[%add3A_270, %dma_wait3A_276] : memref<819200x64xf32, #tpu.memory_space<hbm>> -> memref<128x64xf32, #tpu.memory_space<hbm>>
    %dma_wait3A_278 = arith.constant 0 : i32
    %dma_wait3A_279 = tpu.memref_slice %arg4[%add3A_270, %dma_wait3A_278] : memref<819200x64xf32, #tpu.memory_space<hbm>> -> memref<128x64xf32, #tpu.memory_space<hbm>>
    %dma_wait3A_280 = arith.constant 0 : i32
    %dma_wait3A_281 = arith.constant 0 : i32
    %dma_wait3A_282 = tpu.memref_slice %arg6[%dma_wait3A_271, %dma_wait3A_280, %dma_wait3A_281] : memref<4x128x64xf32, #tpu.memory_space<vmem>> -> memref<1x128x64xf32, #tpu.memory_space<vmem>>
    %dma_wait3A_283 = tpu.memref_squeeze %dma_wait3A_282 : memref<1x128x64xf32, #tpu.memory_space<vmem>> -> memref<128x64xf32, #tpu.memory_space<vmem>>
    tpu.wait_dma2 semaphore(%arg14 : memref<!tpu.dma_semaphore, #tpu.memory_space<semaphore_mem>>) src(%dma_wait3A_283 : memref<128x64xf32, #tpu.memory_space<vmem>>) dst(%dma_wait3A_279 : memref<128x64xf32, #tpu.memory_space<hbm>>)
    %dma_start3A_284 = arith.constant 199 : i32
    %dma_start3A_285 = arith.constant 3 : i32
    %dma_start3A_286 = arith.constant 0 : i32
    %dma_start3A_287 = arith.constant 0 : i32
    %dma_start3A_288 = tpu.memref_slice %arg6[%dma_start3A_285, %dma_start3A_286, %dma_start3A_287] : memref<4x128x64xf32, #tpu.memory_space<vmem>> -> memref<1x128x64xf32, #tpu.memory_space<vmem>>
    %dma_start3A_289 = tpu.memref_squeeze %dma_start3A_288 : memref<1x128x64xf32, #tpu.memory_space<vmem>> -> memref<128x64xf32, #tpu.memory_space<vmem>>
    %dma_start3A_290 = arith.constant 0 : i32
    %dma_start3A_291 = tpu.memref_slice %arg5[%dma_start3A_284, %dma_start3A_290] : memref<200x128xi32, #tpu.memory_space<vmem>> -> memref<1x128xi32, #tpu.memory_space<vmem>>
    %dma_start3A_292 = tpu.memref_squeeze %dma_start3A_291 : memref<1x128xi32, #tpu.memory_space<vmem>> -> memref<128xi32, #tpu.memory_space<vmem>>
    %dma_start3A_293 = arith.constant 0 : i32
    %dma_start3A_294 = arith.constant 0 : i32
    %dma_start3A_295 = tpu.memref_slice %arg3[%dma_start3A_293, %dma_start3A_294] : memref<32000x64xf32, #tpu.memory_space<hbm>> -> memref<32000x64xf32, #tpu.memory_space<hbm>>
    tpu.enqueue_indirect_dma source(%dma_start3A_295 : memref<32000x64xf32, #tpu.memory_space<hbm>>) target(%dma_start3A_289 : memref<128x64xf32, #tpu.memory_space<vmem>>) offsets(%dma_start3A_292 : memref<128xi32, #tpu.memory_space<vmem>>) semaphore(%arg10 : memref<!tpu.dma_semaphore, #tpu.memory_space<semaphore_mem>>)
    %dma_wait3A_296 = arith.constant 197 : i32
    %dma_wait3A_297 = arith.constant 1 : i32
    %dma_wait3A_298 = arith.constant 0 : i32
    %dma_wait3A_299 = arith.constant 0 : i32
    %dma_wait3A_300 = tpu.memref_slice %arg6[%dma_wait3A_297, %dma_wait3A_298, %dma_wait3A_299] : memref<4x128x64xf32, #tpu.memory_space<vmem>> -> memref<1x128x64xf32, #tpu.memory_space<vmem>>
    %dma_wait3A_301 = tpu.memref_squeeze %dma_wait3A_300 : memref<1x128x64xf32, #tpu.memory_space<vmem>> -> memref<128x64xf32, #tpu.memory_space<vmem>>
    %dma_wait3A_302 = arith.constant 0 : i32
    %dma_wait3A_303 = tpu.memref_slice %arg5[%dma_wait3A_296, %dma_wait3A_302] : memref<200x128xi32, #tpu.memory_space<vmem>> -> memref<1x128xi32, #tpu.memory_space<vmem>>
    %dma_wait3A_304 = tpu.memref_squeeze %dma_wait3A_303 : memref<1x128xi32, #tpu.memory_space<vmem>> -> memref<128xi32, #tpu.memory_space<vmem>>
    %dma_wait3A_305 = arith.constant 0 : i32
    %dma_wait3A_306 = arith.constant 0 : i32
    %dma_wait3A_307 = tpu.memref_slice %arg3[%dma_wait3A_305, %dma_wait3A_306] : memref<32000x64xf32, #tpu.memory_space<hbm>> -> memref<32000x64xf32, #tpu.memory_space<hbm>>
    tpu.wait_indirect_dma semaphore(%arg8 : memref<!tpu.dma_semaphore, #tpu.memory_space<semaphore_mem>>) src(%dma_wait3A_307 : memref<32000x64xf32, #tpu.memory_space<hbm>>) dst(%dma_wait3A_301 : memref<128x64xf32, #tpu.memory_space<vmem>>)
    %add3A_308 = arith.constant 25216 : i32
    %add3A_309 = arith.addi %mul3A_2, %add3A_308 : i32
    %dma_start3A_310 = arith.constant 1 : i32
    %dma_start3A_311 = arith.constant 0 : i32
    %dma_start3A_312 = arith.constant 0 : i32
    %dma_start3A_313 = tpu.memref_slice %arg6[%dma_start3A_310, %dma_start3A_311, %dma_start3A_312] : memref<4x128x64xf32, #tpu.memory_space<vmem>> -> memref<1x128x64xf32, #tpu.memory_space<vmem>>
    %dma_start3A_314 = tpu.memref_squeeze %dma_start3A_313 : memref<1x128x64xf32, #tpu.memory_space<vmem>> -> memref<128x64xf32, #tpu.memory_space<vmem>>
    %dma_start3A_315 = arith.constant 0 : i32
    %dma_start3A_316 = tpu.memref_slice %arg4[%add3A_309, %dma_start3A_315] : memref<819200x64xf32, #tpu.memory_space<hbm>> -> memref<128x64xf32, #tpu.memory_space<hbm>>
    %dma_start3A_317 = arith.constant 0 : i32
    %dma_start3A_318 = tpu.memref_slice %arg4[%add3A_309, %dma_start3A_317] : memref<819200x64xf32, #tpu.memory_space<hbm>> -> memref<128x64xf32, #tpu.memory_space<hbm>>
    %dma_start3A_319 = arith.constant 0 : i32
    %dma_start3A_320 = arith.constant 0 : i32
    %dma_start3A_321 = tpu.memref_slice %arg6[%dma_start3A_310, %dma_start3A_319, %dma_start3A_320] : memref<4x128x64xf32, #tpu.memory_space<vmem>> -> memref<1x128x64xf32, #tpu.memory_space<vmem>>
    %dma_start3A_322 = tpu.memref_squeeze %dma_start3A_321 : memref<1x128x64xf32, #tpu.memory_space<vmem>> -> memref<128x64xf32, #tpu.memory_space<vmem>>
    tpu.enqueue_dma source(%dma_start3A_322 : memref<128x64xf32, #tpu.memory_space<vmem>>) target(%dma_start3A_318 : memref<128x64xf32, #tpu.memory_space<hbm>>) target_semaphore(%arg12 : memref<!tpu.dma_semaphore, #tpu.memory_space<semaphore_mem>>)
    %dma_wait3A_323 = arith.constant 198 : i32
    %dma_wait3A_324 = arith.constant 2 : i32
    %dma_wait3A_325 = arith.constant 0 : i32
    %dma_wait3A_326 = arith.constant 0 : i32
    %dma_wait3A_327 = tpu.memref_slice %arg6[%dma_wait3A_324, %dma_wait3A_325, %dma_wait3A_326] : memref<4x128x64xf32, #tpu.memory_space<vmem>> -> memref<1x128x64xf32, #tpu.memory_space<vmem>>
    %dma_wait3A_328 = tpu.memref_squeeze %dma_wait3A_327 : memref<1x128x64xf32, #tpu.memory_space<vmem>> -> memref<128x64xf32, #tpu.memory_space<vmem>>
    %dma_wait3A_329 = arith.constant 0 : i32
    %dma_wait3A_330 = tpu.memref_slice %arg5[%dma_wait3A_323, %dma_wait3A_329] : memref<200x128xi32, #tpu.memory_space<vmem>> -> memref<1x128xi32, #tpu.memory_space<vmem>>
    %dma_wait3A_331 = tpu.memref_squeeze %dma_wait3A_330 : memref<1x128xi32, #tpu.memory_space<vmem>> -> memref<128xi32, #tpu.memory_space<vmem>>
    %dma_wait3A_332 = arith.constant 0 : i32
    %dma_wait3A_333 = arith.constant 0 : i32
    %dma_wait3A_334 = tpu.memref_slice %arg3[%dma_wait3A_332, %dma_wait3A_333] : memref<32000x64xf32, #tpu.memory_space<hbm>> -> memref<32000x64xf32, #tpu.memory_space<hbm>>
    tpu.wait_indirect_dma semaphore(%arg9 : memref<!tpu.dma_semaphore, #tpu.memory_space<semaphore_mem>>) src(%dma_wait3A_334 : memref<32000x64xf32, #tpu.memory_space<hbm>>) dst(%dma_wait3A_328 : memref<128x64xf32, #tpu.memory_space<vmem>>)
    %add3A_335 = arith.constant 25344 : i32
    %add3A_336 = arith.addi %mul3A_2, %add3A_335 : i32
    %dma_start3A_337 = arith.constant 2 : i32
    %dma_start3A_338 = arith.constant 0 : i32
    %dma_start3A_339 = arith.constant 0 : i32
    %dma_start3A_340 = tpu.memref_slice %arg6[%dma_start3A_337, %dma_start3A_338, %dma_start3A_339] : memref<4x128x64xf32, #tpu.memory_space<vmem>> -> memref<1x128x64xf32, #tpu.memory_space<vmem>>
    %dma_start3A_341 = tpu.memref_squeeze %dma_start3A_340 : memref<1x128x64xf32, #tpu.memory_space<vmem>> -> memref<128x64xf32, #tpu.memory_space<vmem>>
    %dma_start3A_342 = arith.constant 0 : i32
    %dma_start3A_343 = tpu.memref_slice %arg4[%add3A_336, %dma_start3A_342] : memref<819200x64xf32, #tpu.memory_space<hbm>> -> memref<128x64xf32, #tpu.memory_space<hbm>>
    %dma_start3A_344 = arith.constant 0 : i32
    %dma_start3A_345 = tpu.memref_slice %arg4[%add3A_336, %dma_start3A_344] : memref<819200x64xf32, #tpu.memory_space<hbm>> -> memref<128x64xf32, #tpu.memory_space<hbm>>
    %dma_start3A_346 = arith.constant 0 : i32
    %dma_start3A_347 = arith.constant 0 : i32
    %dma_start3A_348 = tpu.memref_slice %arg6[%dma_start3A_337, %dma_start3A_346, %dma_start3A_347] : memref<4x128x64xf32, #tpu.memory_space<vmem>> -> memref<1x128x64xf32, #tpu.memory_space<vmem>>
    %dma_start3A_349 = tpu.memref_squeeze %dma_start3A_348 : memref<1x128x64xf32, #tpu.memory_space<vmem>> -> memref<128x64xf32, #tpu.memory_space<vmem>>
    tpu.enqueue_dma source(%dma_start3A_349 : memref<128x64xf32, #tpu.memory_space<vmem>>) target(%dma_start3A_345 : memref<128x64xf32, #tpu.memory_space<hbm>>) target_semaphore(%arg13 : memref<!tpu.dma_semaphore, #tpu.memory_space<semaphore_mem>>)
    %dma_wait3A_350 = arith.constant 199 : i32
    %dma_wait3A_351 = arith.constant 3 : i32
    %dma_wait3A_352 = arith.constant 0 : i32
    %dma_wait3A_353 = arith.constant 0 : i32
    %dma_wait3A_354 = tpu.memref_slice %arg6[%dma_wait3A_351, %dma_wait3A_352, %dma_wait3A_353] : memref<4x128x64xf32, #tpu.memory_space<vmem>> -> memref<1x128x64xf32, #tpu.memory_space<vmem>>
    %dma_wait3A_355 = tpu.memref_squeeze %dma_wait3A_354 : memref<1x128x64xf32, #tpu.memory_space<vmem>> -> memref<128x64xf32, #tpu.memory_space<vmem>>
    %dma_wait3A_356 = arith.constant 0 : i32
    %dma_wait3A_357 = tpu.memref_slice %arg5[%dma_wait3A_350, %dma_wait3A_356] : memref<200x128xi32, #tpu.memory_space<vmem>> -> memref<1x128xi32, #tpu.memory_space<vmem>>
    %dma_wait3A_358 = tpu.memref_squeeze %dma_wait3A_357 : memref<1x128xi32, #tpu.memory_space<vmem>> -> memref<128xi32, #tpu.memory_space<vmem>>
    %dma_wait3A_359 = arith.constant 0 : i32
    %dma_wait3A_360 = arith.constant 0 : i32
    %dma_wait3A_361 = tpu.memref_slice %arg3[%dma_wait3A_359, %dma_wait3A_360] : memref<32000x64xf32, #tpu.memory_space<hbm>> -> memref<32000x64xf32, #tpu.memory_space<hbm>>
    tpu.wait_indirect_dma semaphore(%arg10 : memref<!tpu.dma_semaphore, #tpu.memory_space<semaphore_mem>>) src(%dma_wait3A_361 : memref<32000x64xf32, #tpu.memory_space<hbm>>) dst(%dma_wait3A_355 : memref<128x64xf32, #tpu.memory_space<vmem>>)
    %add3A_362 = arith.constant 25472 : i32
    %add3A_363 = arith.addi %mul3A_2, %add3A_362 : i32
    %dma_start3A_364 = arith.constant 3 : i32
    %dma_start3A_365 = arith.constant 0 : i32
    %dma_start3A_366 = arith.constant 0 : i32
    %dma_start3A_367 = tpu.memref_slice %arg6[%dma_start3A_364, %dma_start3A_365, %dma_start3A_366] : memref<4x128x64xf32, #tpu.memory_space<vmem>> -> memref<1x128x64xf32, #tpu.memory_space<vmem>>
    %dma_start3A_368 = tpu.memref_squeeze %dma_start3A_367 : memref<1x128x64xf32, #tpu.memory_space<vmem>> -> memref<128x64xf32, #tpu.memory_space<vmem>>
    %dma_start3A_369 = arith.constant 0 : i32
    %dma_start3A_370 = tpu.memref_slice %arg4[%add3A_363, %dma_start3A_369] : memref<819200x64xf32, #tpu.memory_space<hbm>> -> memref<128x64xf32, #tpu.memory_space<hbm>>
    %dma_start3A_371 = arith.constant 0 : i32
    %dma_start3A_372 = tpu.memref_slice %arg4[%add3A_363, %dma_start3A_371] : memref<819200x64xf32, #tpu.memory_space<hbm>> -> memref<128x64xf32, #tpu.memory_space<hbm>>
    %dma_start3A_373 = arith.constant 0 : i32
    %dma_start3A_374 = arith.constant 0 : i32
    %dma_start3A_375 = tpu.memref_slice %arg6[%dma_start3A_364, %dma_start3A_373, %dma_start3A_374] : memref<4x128x64xf32, #tpu.memory_space<vmem>> -> memref<1x128x64xf32, #tpu.memory_space<vmem>>
    %dma_start3A_376 = tpu.memref_squeeze %dma_start3A_375 : memref<1x128x64xf32, #tpu.memory_space<vmem>> -> memref<128x64xf32, #tpu.memory_space<vmem>>
    tpu.enqueue_dma source(%dma_start3A_376 : memref<128x64xf32, #tpu.memory_space<vmem>>) target(%dma_start3A_372 : memref<128x64xf32, #tpu.memory_space<hbm>>) target_semaphore(%arg14 : memref<!tpu.dma_semaphore, #tpu.memory_space<semaphore_mem>>)
    %add3A_377 = arith.constant 25088 : i32
    %add3A_378 = arith.addi %mul3A_2, %add3A_377 : i32
    %dma_wait3A_379 = arith.constant 0 : i32
    %dma_wait3A_380 = arith.constant 0 : i32
    %dma_wait3A_381 = arith.constant 0 : i32
    %dma_wait3A_382 = tpu.memref_slice %arg6[%dma_wait3A_379, %dma_wait3A_380, %dma_wait3A_381] : memref<4x128x64xf32, #tpu.memory_space<vmem>> -> memref<1x128x64xf32, #tpu.memory_space<vmem>>
    %dma_wait3A_383 = tpu.memref_squeeze %dma_wait3A_382 : memref<1x128x64xf32, #tpu.memory_space<vmem>> -> memref<128x64xf32, #tpu.memory_space<vmem>>
    %dma_wait3A_384 = arith.constant 0 : i32
    %dma_wait3A_385 = tpu.memref_slice %arg4[%add3A_378, %dma_wait3A_384] : memref<819200x64xf32, #tpu.memory_space<hbm>> -> memref<128x64xf32, #tpu.memory_space<hbm>>
    %dma_wait3A_386 = arith.constant 0 : i32
    %dma_wait3A_387 = tpu.memref_slice %arg4[%add3A_378, %dma_wait3A_386] : memref<819200x64xf32, #tpu.memory_space<hbm>> -> memref<128x64xf32, #tpu.memory_space<hbm>>
    %dma_wait3A_388 = arith.constant 0 : i32
    %dma_wait3A_389 = arith.constant 0 : i32
    %dma_wait3A_390 = tpu.memref_slice %arg6[%dma_wait3A_379, %dma_wait3A_388, %dma_wait3A_389] : memref<4x128x64xf32, #tpu.memory_space<vmem>> -> memref<1x128x64xf32, #tpu.memory_space<vmem>>
    %dma_wait3A_391 = tpu.memref_squeeze %dma_wait3A_390 : memref<1x128x64xf32, #tpu.memory_space<vmem>> -> memref<128x64xf32, #tpu.memory_space<vmem>>
    tpu.wait_dma2 semaphore(%arg11 : memref<!tpu.dma_semaphore, #tpu.memory_space<semaphore_mem>>) src(%dma_wait3A_391 : memref<128x64xf32, #tpu.memory_space<vmem>>) dst(%dma_wait3A_387 : memref<128x64xf32, #tpu.memory_space<hbm>>)
    %add3A_392 = arith.constant 25216 : i32
    %add3A_393 = arith.addi %mul3A_2, %add3A_392 : i32
    %dma_wait3A_394 = arith.constant 1 : i32
    %dma_wait3A_395 = arith.constant 0 : i32
    %dma_wait3A_396 = arith.constant 0 : i32
    %dma_wait3A_397 = tpu.memref_slice %arg6[%dma_wait3A_394, %dma_wait3A_395, %dma_wait3A_396] : memref<4x128x64xf32, #tpu.memory_space<vmem>> -> memref<1x128x64xf32, #tpu.memory_space<vmem>>
    %dma_wait3A_398 = tpu.memref_squeeze %dma_wait3A_397 : memref<1x128x64xf32, #tpu.memory_space<vmem>> -> memref<128x64xf32, #tpu.memory_space<vmem>>
    %dma_wait3A_399 = arith.constant 0 : i32
    %dma_wait3A_400 = tpu.memref_slice %arg4[%add3A_393, %dma_wait3A_399] : memref<819200x64xf32, #tpu.memory_space<hbm>> -> memref<128x64xf32, #tpu.memory_space<hbm>>
    %dma_wait3A_401 = arith.constant 0 : i32
    %dma_wait3A_402 = tpu.memref_slice %arg4[%add3A_393, %dma_wait3A_401] : memref<819200x64xf32, #tpu.memory_space<hbm>> -> memref<128x64xf32, #tpu.memory_space<hbm>>
    %dma_wait3A_403 = arith.constant 0 : i32
    %dma_wait3A_404 = arith.constant 0 : i32
    %dma_wait3A_405 = tpu.memref_slice %arg6[%dma_wait3A_394, %dma_wait3A_403, %dma_wait3A_404] : memref<4x128x64xf32, #tpu.memory_space<vmem>> -> memref<1x128x64xf32, #tpu.memory_space<vmem>>
    %dma_wait3A_406 = tpu.memref_squeeze %dma_wait3A_405 : memref<1x128x64xf32, #tpu.memory_space<vmem>> -> memref<128x64xf32, #tpu.memory_space<vmem>>
    tpu.wait_dma2 semaphore(%arg12 : memref<!tpu.dma_semaphore, #tpu.memory_space<semaphore_mem>>) src(%dma_wait3A_406 : memref<128x64xf32, #tpu.memory_space<vmem>>) dst(%dma_wait3A_402 : memref<128x64xf32, #tpu.memory_space<hbm>>)
    %add3A_407 = arith.constant 25344 : i32
    %add3A_408 = arith.addi %mul3A_2, %add3A_407 : i32
    %dma_wait3A_409 = arith.constant 2 : i32
    %dma_wait3A_410 = arith.constant 0 : i32
    %dma_wait3A_411 = arith.constant 0 : i32
    %dma_wait3A_412 = tpu.memref_slice %arg6[%dma_wait3A_409, %dma_wait3A_410, %dma_wait3A_411] : memref<4x128x64xf32, #tpu.memory_space<vmem>> -> memref<1x128x64xf32, #tpu.memory_space<vmem>>
    %dma_wait3A_413 = tpu.memref_squeeze %dma_wait3A_412 : memref<1x128x64xf32, #tpu.memory_space<vmem>> -> memref<128x64xf32, #tpu.memory_space<vmem>>
    %dma_wait3A_414 = arith.constant 0 : i32
    %dma_wait3A_415 = tpu.memref_slice %arg4[%add3A_408, %dma_wait3A_414] : memref<819200x64xf32, #tpu.memory_space<hbm>> -> memref<128x64xf32, #tpu.memory_space<hbm>>
    %dma_wait3A_416 = arith.constant 0 : i32
    %dma_wait3A_417 = tpu.memref_slice %arg4[%add3A_408, %dma_wait3A_416] : memref<819200x64xf32, #tpu.memory_space<hbm>> -> memref<128x64xf32, #tpu.memory_space<hbm>>
    %dma_wait3A_418 = arith.constant 0 : i32
    %dma_wait3A_419 = arith.constant 0 : i32
    %dma_wait3A_420 = tpu.memref_slice %arg6[%dma_wait3A_409, %dma_wait3A_418, %dma_wait3A_419] : memref<4x128x64xf32, #tpu.memory_space<vmem>> -> memref<1x128x64xf32, #tpu.memory_space<vmem>>
    %dma_wait3A_421 = tpu.memref_squeeze %dma_wait3A_420 : memref<1x128x64xf32, #tpu.memory_space<vmem>> -> memref<128x64xf32, #tpu.memory_space<vmem>>
    tpu.wait_dma2 semaphore(%arg13 : memref<!tpu.dma_semaphore, #tpu.memory_space<semaphore_mem>>) src(%dma_wait3A_421 : memref<128x64xf32, #tpu.memory_space<vmem>>) dst(%dma_wait3A_417 : memref<128x64xf32, #tpu.memory_space<hbm>>)
    %add3A_422 = arith.constant 25472 : i32
    %add3A_423 = arith.addi %mul3A_2, %add3A_422 : i32
    %dma_wait3A_424 = arith.constant 3 : i32
    %dma_wait3A_425 = arith.constant 0 : i32
    %dma_wait3A_426 = arith.constant 0 : i32
    %dma_wait3A_427 = tpu.memref_slice %arg6[%dma_wait3A_424, %dma_wait3A_425, %dma_wait3A_426] : memref<4x128x64xf32, #tpu.memory_space<vmem>> -> memref<1x128x64xf32, #tpu.memory_space<vmem>>
    %dma_wait3A_428 = tpu.memref_squeeze %dma_wait3A_427 : memref<1x128x64xf32, #tpu.memory_space<vmem>> -> memref<128x64xf32, #tpu.memory_space<vmem>>
    %dma_wait3A_429 = arith.constant 0 : i32
    %dma_wait3A_430 = tpu.memref_slice %arg4[%add3A_423, %dma_wait3A_429] : memref<819200x64xf32, #tpu.memory_space<hbm>> -> memref<128x64xf32, #tpu.memory_space<hbm>>
    %dma_wait3A_431 = arith.constant 0 : i32
    %dma_wait3A_432 = tpu.memref_slice %arg4[%add3A_423, %dma_wait3A_431] : memref<819200x64xf32, #tpu.memory_space<hbm>> -> memref<128x64xf32, #tpu.memory_space<hbm>>
    %dma_wait3A_433 = arith.constant 0 : i32
    %dma_wait3A_434 = arith.constant 0 : i32
    %dma_wait3A_435 = tpu.memref_slice %arg6[%dma_wait3A_424, %dma_wait3A_433, %dma_wait3A_434] : memref<4x128x64xf32, #tpu.memory_space<vmem>> -> memref<1x128x64xf32, #tpu.memory_space<vmem>>
    %dma_wait3A_436 = tpu.memref_squeeze %dma_wait3A_435 : memref<1x128x64xf32, #tpu.memory_space<vmem>> -> memref<128x64xf32, #tpu.memory_space<vmem>>
    tpu.wait_dma2 semaphore(%arg14 : memref<!tpu.dma_semaphore, #tpu.memory_space<semaphore_mem>>) src(%dma_wait3A_436 : memref<128x64xf32, #tpu.memory_space<vmem>>) dst(%dma_wait3A_432 : memref<128x64xf32, #tpu.memory_space<hbm>>)
    return
  }
}

</mosaic_0001>

<sc_bundles>
// kernel: kernel.3.cloned.1.call-start
scs
__scs_entry_jumppad:
0x0: {  	(pc) =	sbr.rel $0x88, $3  }
0x1: {  	(tag) =	ssettag $0x0;
	lr =	simm.s32 $0x1  }
0x2: {  	[smem:$0x3F9F] =	sst lr;
	_ =	strace $0xD0000000  }
0x3: {  	_ = 	snop  }
0x4: {  	_ = 	snop  }
0x5: {  	_ = 	snop  }
0x6: {  	_ = 	snop  }
0x7: {  	_ = 	snop  }
__scs_overlays_trampoline_lowered:
0x8: {  	[smem:$0x3FAE] =	sst s0  }
0x9: {  	[smem:$0x3FAF] =	sst s1  }
0xa: {  	[smem:$0x3FB0] =	sst s2  }
0xb: {  	[smem:$0x3FB1] =	sst s3  }
0xc: {  	[smem:$0x3FB2] =	sst s4  }
0xd: {  	[smem:$0x3FB3] =	sst s5  }
0xe: {  	[smem:$0x3FB4] =	sst s6  }
0xf: {  	[smem:$0x3FB5] =	sst s7  }
0x10: {  	[smem:$0x3FB6] =	sst s8  }
0x11: {  	[smem:$0x3FB7] =	sst s9;
	s0 =	simm.s32 @!p0 $0x0  }
0x12: {  	s1 =	sld [smem:$0x3F9D];
	s0 =	simm.s32 @p0 $0x1  }
0x13: {  	[smem:$0x3FB8] =	sst s0;
	s0 =	simm.s32 @!p1 $0x0  }
0x14: {  	s2 =	sld [smem:$0x3F9C];
	s0 =	simm.s32 @p1 $0x1  }
0x15: {  	[smem:$0x3FB9] =	sst s0;
	s0 =	simm.s32 @!p2 $0x0  }
0x16: {  	s3 =	sld [smem:$0x3FDB];
	s0 =	simm.s32 @p2 $0x1  }
0x17: {  	s4 =	simm.s32 $0x1BF5;
	[smem:$0x3FBB] =	sst s0  }
0x18: {  	s0 =	sld [smem:$0x3F9E];
	_ =	swait.ge [sflag:s4], $0x0  }
0x19: {  	s7 =	sld [smem:$0x3F9F]  }
0x1a: {  	s8 =	sadd.s32 $0xFFFFE003, lr  }
0x1b: {  	s9 =	sadd.s32 $0xFFFFFEF7, lr;
	s5 =	simm.s32 $0xFFFFFFFF;
	p2 =	slt.u32 s8, $0xFFFFF086  }
0x1c: {  	p1 =	slt.u32 s9, $0xF7A;
	s5 =	simm.s32 @!p2 $0x0  }
0x1d: {  	s5 =	simm.s32 @p1 $0x1;
	p0 =	seq.s32 s7, s2  }
0x1e: {  	s7 =	smul.u32 @!p0 $0xF7A, s2;
	p2 =	seq.s32 @!p0 s5, $0x0  }
0x1f: {  	s9 =	smul.u32 $0xF7A, s1;
	s8 =	simm.s32 @!p0 $0x1BF5;
	p2 =	por !p2, p0  }
0x20: {  	[sflag:s8] =	ssyncset.s32 @!p0 $0xFFFFF086;
	s6 =	sadd.s32 @!p0 s3, s7;
	s7 =	simm.s32 @!p0 $0x108  }
0x21: {  	s3 =	sadd.s32 s3, s9;
	s6 =	sadd.s32 @!p0 $0x88, s6;
	s7 =	simm.s32 @p2 $0x1082  }
0x22: {  	[simem:s7], [sflag:s8] =	dma.local @!p0 [hbm:s6], $0xF7A  }
0x23: {  	s9 =	sor.u32 $0xD0000000, s2;
	s6 =	simm.s32 $0x108;
	_ =	swait.ge @!p0 [sflag:s8], $0x0  }
0x24: {  	s3 =	sadd.s32 $0x88, s3;
	s6 =	simm.s32 @!p1 $0x1082;
	[sflag:s4] =	ssyncset.s32 $0xFFFFF086  }
0x25: {  	[simem:s6], [sflag:s4] =	dma.local [hbm:s3], $0xF7A  }
0x26: {  	[smem:$0x3F9F] =	sst s1;
	(tag) =	ssettag s2;
	_ =	strace s9  }
0x27: {  	s1 =	sld [smem:$0x3FAF]  }
0x28: {  	s2 =	sld [smem:$0x3FB0]  }
0x29: {  	s4 =	sld [smem:$0x3FB2]  }
0x2a: {  	p0 =	seq.s32 s5, $0x0;
	s5 =	sld [smem:$0x3FB3]  }
0x2b: {  	s6 =	sld [smem:$0x3FB4]  }
0x2c: {  	s7 =	sld [smem:$0x3FB5]  }
0x2d: {  	s3 =	simm.s32 $0x108;
	s8 =	sld [smem:$0x3FB6]  }
0x2e: {  	s3 =	simm.s32 @!p0 $0x1082;
	s9 =	sld [smem:$0x3FB7]  }
0x2f: {  	lr =	sadd.s32 s0, s3;
	s0 =	sld [smem:$0x3FAE]  }
0x30: {  	s3 =	sld [smem:$0x3FB1]  }
0x31: {  	[smem:$0x3FBA] =	sst s10  }
0x32: {  	s10 =	sld [smem:$0x3FB8];
	_ =	sdelay $0x3  }
0x33: {  	p0 =	seq.s32 s10, $0x1;
	s10 =	sld [smem:$0x3FBA];
	_ =	sdelay $0x3  }
0x34: {  	[smem:$0x3FBA] =	sst s10  }
0x35: {  	s10 =	sld [smem:$0x3FB9];
	_ =	sdelay $0x3  }
0x36: {  	p1 =	seq.s32 s10, $0x1;
	s10 =	sld [smem:$0x3FBA];
	_ =	sdelay $0x3  }
0x37: {  	[smem:$0x3FBA] =	sst s10  }
0x38: {  	s10 =	sld [smem:$0x3FBB]  }
0x39: {  	_ = 	snop;
	(pc) =	sbr.ind lr, $3  }
0x3a: {  	_ = 	snop  }
0x3b: {  	_ = 	snop  }
0x3c: {  	p2 =	seq.s32 s10, $0x1;
	s10 =	sld [smem:$0x3FBA]  }
0x3d: {  	_ =	shalt  }
0x3e: {  	_ =	shalt  }
0x3f: {  	_ =	shalt  }
0x40: {  	_ =	shalt  }
0x41: {  	_ =	shalt  }
0x42: {  	_ =	shalt  }
0x43: {  	_ =	shalt  }
0x44: {  	_ =	shalt  }
0x45: {  	_ =	shalt  }
0x46: {  	_ =	shalt  }
0x47: {  	_ =	shalt  }
0x48: {  	_ =	shalt  }
0x49: {  	_ =	shalt  }
0x4a: {  	_ =	shalt  }
0x4b: {  	_ =	shalt  }
0x4c: {  	_ =	shalt  }
0x4d: {  	_ =	shalt  }
0x4e: {  	_ =	shalt  }
0x4f: {  	_ =	shalt  }
0x50: {  	_ =	shalt  }
0x51: {  	_ =	shalt  }
0x52: {  	_ =	shalt  }
0x53: {  	_ =	shalt  }
0x54: {  	_ =	shalt  }
0x55: {  	_ =	shalt  }
0x56: {  	_ =	shalt  }
0x57: {  	_ =	shalt  }
0x58: {  	_ =	shalt  }
0x59: {  	_ =	shalt  }
0x5a: {  	_ =	shalt  }
0x5b: {  	_ =	shalt  }
0x5c: {  	_ =	shalt  }
0x5d: {  	_ =	shalt  }
0x5e: {  	_ =	shalt  }
0x5f: {  	_ =	shalt  }
0x60: {  	_ =	shalt  }
0x61: {  	_ =	shalt  }
0x62: {  	_ =	shalt  }
0x63: {  	_ =	shalt  }
0x64: {  	_ =	shalt  }
0x65: {  	_ =	shalt  }
0x66: {  	_ =	shalt  }
0x67: {  	_ =	shalt  }
0x68: {  	_ =	shalt  }
0x69: {  	_ =	shalt  }
0x6a: {  	_ =	shalt  }
0x6b: {  	_ =	shalt  }
0x6c: {  	_ =	shalt  }
0x6d: {  	_ =	shalt  }
0x6e: {  	_ =	shalt  }
0x6f: {  	_ =	shalt  }
0x70: {  	_ =	shalt  }
0x71: {  	_ =	shalt  }
0x72: {  	_ =	shalt  }
0x73: {  	_ =	shalt  }
0x74: {  	_ =	shalt  }
0x75: {  	_ =	shalt  }
0x76: {  	_ =	shalt  }
0x77: {  	_ =	shalt  }
0x78: {  	_ =	shalt  }
0x79: {  	_ =	shalt  }
0x7a: {  	_ =	shalt  }
0x7b: {  	_ =	shalt  }
0x7c: {  	_ =	shalt  }
0x7d: {  	_ =	shalt  }
0x7e: {  	_ =	shalt  }
0x7f: {  	_ =	shalt  }
0x80: {  	_ =	shalt  }
0x81: {  	_ =	shalt  }
0x82: {  	_ =	shalt  }
0x83: {  	_ =	shalt  }
0x84: {  	_ =	shalt  }
0x85: {  	_ =	shalt  }
0x86: {  	_ =	shalt  }
0x87: {  	_ =	shalt  }
.Lfunc_end0:
.L_simem_size_0:
called_computation.1_lowered:
.L_overlay_start_0:
0x88: {  	s2 =	sld [smem:$0x3FD9]  }
0x89: {  	s3 =	sld [smem:$0x3FFE];
	_ =	sdelay $0x1  }
0x8a: {  	s1 =	srdreg.scid  }
0x8b: {  	s0 =	sand.u32 $0x1, s1  }
0x8c: {  	s17 =	sshll.u32 s0, $0xA;
	s2 =	sadd.s32 s3, s2  }
0x8d: {  	s2 =	sadd.s32 s2, s17  }
0x8e: {  	[smem:$0x3FC6] =	sst s2  }
0x8f: {  	_ = 	snop  }
0x90: {  	s2 =	sld [smem:$0x3FD0];
	(tm) =	ssettm $0x1  }
0x91: {  	s18 =	sld [smem:$0x3FFB];
	_ =	sdelay $0x3  }
0x92: {  	_ =	strace s18  }
0x93: {  	s3 =	sld [smem:$0x3FFC];
	_ =	sdelay $0x3  }
0x94: {  	_ =	strace s3  }
0x95: {  	s3 =	sld [smem:$0x3FFD];
	_ =	sdelay $0x3  }
0x96: {  	_ =	strace s3  }
0x97: {  	_ =	strace $0x8FFFFFFF  }
0x98: {  	s19 =	sld [smem:$0x3FDB];
	_ =	sdelay $0x1  }
0x99: {  	s4 =	simm.s32 $_scs_section_size  }
0x9a: {  	s5 =	simm.s32 $_size__tile_overlayer_lowered;
	s6 =	simm.s32 $_tile_overlayer_lowered  }
0x9b: {  	s22 =	simm.s32 $0x1BFF;
	s21 =	sshll.u32 s6, $0x1;
	s3 =	sadd.s32 s4, s19  }
0x9c: {  	s7 =	simm.s32 $0x0;
	s20 =	sshll.u32 s5, $0x1;
	s5 =	sadd.s32 s21, s3  }
0x9d: {  	[timem:s7], [sflag:s22] =	dma.local [hbm:s5], s20  }
0x9e: {  	_ =	swait.ge [sflag:s22], s20  }
0x9f: {  	s4 =	ssub.s32 $0x0, s20;
	[sflag:s22] =	ssyncset.done $0x0  }
0xa0: {  	[sflag:s22] =	ssyncadd.s32 s4;
	_ =	sdelay $0x1  }
0xa1: {  	s23 =	simm.s32 $0x1B8B  }
0xa2: {  	_ =	swait.ge [sflag:s23], $0x1  }
0xa3: {  	[sflag:s23] =	ssyncset.done $0x0  }
0xa4: {  	s25 =	simm.s32 $0x1B8E;
	s24 =	sld [smem:$0x3FFE];
	[sflag:s23] =	ssyncadd.s32 $0xFFFFFFFF  }
0xa5: {  	s26 =	simm.s32 $execute0_lowered;
	[smem:$0x3FD2] =	sst s25  }
0xa6: {  	s5 =	sshll.u32 s26, $0x1;
	_ =	strace $0x80000046;
	[dreg:$0x1] =	wrdreg $0xFFFFFFFF  }
0xa7: {  	s28 =	simm.s32 $_size_execute0_lowered;
	s3 =	sadd.s32 s3, s5;
	[dreg:$0x0] =	wrdreg $0x0  }
0xa8: {  	s5 =	sshll.u32 s28, $0x1;
	[dreg:$0x2] =	wrdreg s3  }
0xa9: {  	[dreg:$0x3] =	wrdreg s5  }
0xaa: {  	[dreg:$0x4] =	wrdreg $0xC0  }
0xab: {  	_ =	task [dreg:s7], $0x5FFFF  }
0xac: {  	[dreg:$0x1] =	wrdreg $0xFFFFFFFF  }
0xad: {  	[dreg:$0x0] =	wrdreg $0x60  }
0xae: {  	[dreg:$0x2] =	wrdreg s24  }
0xaf: {  	[dreg:$0x3] =	wrdreg s2  }
0xb0: {  	[dreg:$0x4] =	wrdreg $0x9  }
0xb1: {  	_ =	task.clear_ibuf [dreg:s7], $0x5FFFF;
	_ =	strace $0x90000046  }
0xb2: {  	s29 =	simm.s32 $0x9;
	_ =	strace $0x80000048  }
0xb3: {  	_ =	swait.ge [sflag:s29], $0x1  }
0xb4: {  	[sflag:s29] =	ssyncadd.s32 $0xFFFFFFFF  }
0xb5: {  	_ =	strace $0x90000048  }
0xb6: {  	_ =	sfence  }
0xb7: {  	s30 =	sld [smem:$0x0];
	_ =	sdelay $0x2  }
0xb8: {  	s31 =	sshll.u32 s1, $0xD;
	s1 =	sshrl.u32 s1, $0x2  }
0xb9: {  	s3 =	sand.u32 $0x4000, s31;
	s1 =	sadd.s32 s1, s30  }
0xba: {  	s0 =	sor.u32 s3, s0;
	s1 =	sshll.u32 s1, $0x11  }
0xbb: {  	s0 =	sor.u32 s1, s0  }
0xbc: {  	s0 =	sadd.s32 $0x8F2B, s0  }
0xbd: {  	[sflag:s0] =	ssyncadd.remote.s32 $0x1  }
0xbe: {  	_ =	sfence.sel $0xFFFF  }
0xbf: {  	[dreg:$0x0] =	wrdreg $0xFFFFFFFF;
	(pc) =	sbr.abs _section_cstart, $3  }
0xc0: {  	[dreg:$0x1] =	wrdreg $0xFFFFFFFF  }
0xc1: {  	_ =	task.clear_ibuf [dreg:s7], $0x2FFFF;
	_ =	strace $0x9FFFFFFF  }
0xc2: {  	(tm) =	ssettm $0x7FFFFFFF  }
0xc3: {  	_ =	shalt  }
tec
execute0_lowered:
.L_overlay_start_1:
0x0: {  	(tag) =	ssettag $0x1  }
0x1: {  	s0 =	srdreg.scid;
	s1 =	rddreg [dreg:$0x0]  }
0x2: {  	s9 =	stileid.u32;
	s5 =	rddreg [dreg:$0x1];
	s28 =	simm.s32 $0x2  }
0x3: {  	s0 =	sand.u32 $0x1, s0;
	s2 =	sshll.u32 s9, $0x1;
	s9 =	smul.u32 $0xC800, s9  }
0x4: {  	s3 =	sor.u32 s0, s2;
	s17 =	ssub.s32 $0x2, s0;
	s0 =	smul.u32 $0x6400, s0  }
0x5: {  	s29 =	simm.s32 $0x5;
	s31 =	simm.s32 $0x3;
	s4 =	smul.u32 $0x6400, s3  }
0x6: {  	s30 =	simm.s32 $0x0;
	s2 =	simm.s32 $0x0;
	s6 =	smul.u32 $0x32000, s3  }
0x7: {  	[smem:$0x7FF] =	sst s2;
	s8 =	smul.u32 $0x190000, s3;
	s3 =	sadd.s32 $0x1A000, s1  }
0x8: {  	s18 =	sshrl.u32 s17, $0x1;
	_ =	strace $0x80000047;
	s0 =	sadd.s32 s0, s9  }
0x9: {  	s4 =	sshrl.u32 s4, $0x3;
	s21 =	sshrl.u32 s8, $0x3;
	s0 =	sshll.u32 s0, $0x3  }
0xa: {  	s7 =	sadd.s32 s4, s1;
	s1 =	ssub.s32 s17, s18;
	s4 =	sadd.s32 s5, s6  }
0xb: {  	s6 =	sadd.s32 s5, s21;
	s0 =	sadd.s32 s0, s5;
	s18 =	simm.s32 $0x9  }
0xc: {  	s21 =	simm.s32 $0x8400;
	s19 =	sadd.s32 $0x1000, s7;
	s20 =	sadd.s32 $0x400, s4  }
0xd: {  	s22 =	sadd.s32 $0x800, s4;
	s23 =	sadd.s32 $0xC00, s4;
	[dreg:$0x3] =	wrdreg s19  }
0xe: {  	s24 =	sadd.s32 $0x31000, s6;
	s25 =	sadd.s32 $0x31400, s6;
	[dreg:$0x4] =	wrdreg s20  }
0xf: {  	s26 =	sadd.s32 $0x31800, s6;
	s12 =	sadd.s32 $0x31C00, s6;
	[dreg:$0x5] =	wrdreg s22  }
0x10: {  	s13 =	smax.u32 s1, $0x1;
	s14 =	sadd.s32 $0x1800, s0;
	[dreg:$0x6] =	wrdreg s23  }
0x11: {  	s15 =	sadd.s32 $0x1400, s0;
	s16 =	sadd.s32 $0x1000, s0;
	[dreg:$0x7] =	wrdreg s24  }
0x12: {  	s17 =	sadd.s32 $0x1C00, s0;
	s1 =	simm.s32 $0x6;
	[dreg:$0x8] =	wrdreg s25  }
0x13: {  	s0 =	simm.s32 $0x8;
	[dreg:$0x9] =	wrdreg s26;
	s19 =	simm.s32 $0x80  }
0x14: {  	s20 =	simm.s32 $0x6400;
	s23 =	simm.s32 $0xA400;
	s24 =	simm.s32 $0x1  }
0x15: {  	s26 =	simm.s32 $0xC400;
	s22 =	simm.s32 $0x4;
	s25 =	simm.s32 $0x7  }
.LBB2_1:
0x16: {  	s5 =	rddreg [dreg:$0x3]  }
0x17: {  	[tilespmem:s2], [sflag:$0x9] =	stream.linear.gather [hbm4b:s5+s2], $0x6400, $0x38;
	[tilespmem:$0xE400] =	vst v63  }
0x18: {  	_ =	swait.ge [sflag:s18], $0x6400  }
0x19: {  	[sflag:s18] =	ssyncset.done $0x0  }
0x1a: {  	[sflag:s18] =	ssyncadd.s32 $0xFFFF9C00  }
0x1b: {  	[tilespmem:s20], [sflag:$0x1] =	stream.indirect.gather [hbm4b:s3+s19], $0x40, s2, s19, $0xb8;
	[tilespmem:$0xE400] =	vst v63  }
0x1c: {  	_ = 	snop  }
0x1d: {  	[tilespmem:s21], [sflag:$0x2] =	stream.indirect.gather [hbm4b:s3+s19], $0x40, s19, s19, $0xb8;
	[tilespmem:$0xE400] =	vst v63  }
0x1e: {  	s7 =	simm.s32 $0x100  }
0x1f: {  	[tilespmem:s23], [sflag:$0x3] =	stream.indirect.gather [hbm4b:s3+s19], $0x40, s7, s19, $0xb8;
	[tilespmem:$0xE400] =	vst v63  }
0x20: {  	_ =	swait.ge [sflag:s24], $0x2000  }
0x21: {  	[sflag:s24] =	ssyncset.done $0x0  }
0x22: {  	[sflag:s24] =	ssyncadd.s32 $0xFFFFE000  }
0x23: {  	[hbm4b:s4+s2] =	stream.linear.scatter [tilespmem:s20], [sflag:$0x5], $0x2000, $0x38;
	[tilespmem:$0xE400] =	vst v63  }
0x24: {  	s8 =	simm.s32 $0x180  }
0x25: {  	[tilespmem:s26], [sflag:$0x4] =	stream.indirect.gather [hbm4b:s3+s19], $0x40, s8, s19, $0xb8;
	[tilespmem:$0xE400] =	vst v63  }
0x26: {  	_ =	swait.ge [sflag:s28], $0x2000  }
0x27: {  	[sflag:s28] =	ssyncset.done $0x0  }
0x28: {  	s9 =	rddreg [dreg:$0x4];
	[sflag:s28] =	ssyncadd.s32 $0xFFFFE000  }
0x29: {  	[hbm4b:s9+s2] =	stream.linear.scatter [tilespmem:s21], [sflag:$0x6], $0x2000, $0x38;
	[tilespmem:$0xE400] =	vst v63  }
0x2a: {  	_ =	swait.ge [sflag:s29], $0x2000  }
0x2b: {  	[sflag:s29] =	ssyncset.done $0x0  }
0x2c: {  	s10 =	simm.s32 $0x200;
	[sflag:s29] =	ssyncadd.s32 $0xFFFFE000  }
0x2d: {  	[tilespmem:s20], [sflag:$0x1] =	stream.indirect.gather [hbm4b:s3+s19], $0x40, s10, s19, $0xb8;
	[tilespmem:$0xE400] =	vst v63  }
0x2e: {  	_ =	swait.ge [sflag:s31], $0x2000  }
0x2f: {  	[sflag:s31] =	ssyncset.done $0x0  }
0x30: {  	s11 =	rddreg [dreg:$0x5];
	[sflag:s31] =	ssyncadd.s32 $0xFFFFE000  }
0x31: {  	[hbm4b:s11+s2] =	stream.linear.scatter [tilespmem:s23], [sflag:$0x7], $0x2000, $0x38;
	[tilespmem:$0xE400] =	vst v63  }
0x32: {  	_ =	swait.ge [sflag:s1], $0x2000  }
0x33: {  	[sflag:s1] =	ssyncset.done $0x0  }
0x34: {  	s6 =	simm.s32 $0x280;
	[sflag:s1] =	ssyncadd.s32 $0xFFFFE000  }
0x35: {  	[tilespmem:s21], [sflag:$0x2] =	stream.indirect.gather [hbm4b:s3+s19], $0x40, s6, s19, $0xb8;
	[tilespmem:$0xE400] =	vst v63  }
0x36: {  	_ =	swait.ge [sflag:s22], $0x2000  }
0x37: {  	[sflag:s22] =	ssyncset.done $0x0  }
0x38: {  	s7 =	rddreg [dreg:$0x6];
	[sflag:s22] =	ssyncadd.s32 $0xFFFFE000  }
0x39: {  	[hbm4b:s7+s2] =	stream.linear.scatter [tilespmem:s26], [sflag:$0x8], $0x2000, $0x38;
	[tilespmem:$0xE400] =	vst v63  }
0x3a: {  	_ =	swait.ge [sflag:s25], $0x2000  }
0x3b: {  	[sflag:s25] =	ssyncset.done $0x0  }
0x3c: {  	s8 =	simm.s32 $0x300;
	[sflag:s25] =	ssyncadd.s32 $0xFFFFE000  }
0x3d: {  	[tilespmem:s23], [sflag:$0x3] =	stream.indirect.gather [hbm4b:s3+s19], $0x40, s8, s19, $0xb8;
	[tilespmem:$0xE400] =	vst v63  }
0x3e: {  	_ =	swait.ge [sflag:s24], $0x2000  }
0x3f: {  	[sflag:s24] =	ssyncset.done $0x0  }
0x40: {  	[sflag:s24] =	ssyncadd.s32 $0xFFFFE000  }
0x41: {  	[hbm4b:s16+s2] =	stream.linear.scatter [tilespmem:s20], [sflag:$0x5], $0x2000, $0x38;
	[tilespmem:$0xE400] =	vst v63  }
0x42: {  	_ =	swait.ge [sflag:s0], $0x2000  }
0x43: {  	[sflag:s0] =	ssyncset.done $0x0  }
0x44: {  	s9 =	simm.s32 $0x380;
	[sflag:s0] =	ssyncadd.s32 $0xFFFFE000  }
0x45: {  	[tilespmem:s26], [sflag:$0x4] =	stream.indirect.gather [hbm4b:s3+s19], $0x40, s9, s19, $0xb8;
	[tilespmem:$0xE400] =	vst v63  }
0x46: {  	_ =	swait.ge [sflag:s28], $0x2000  }
0x47: {  	[sflag:s28] =	ssyncset.done $0x0  }
0x48: {  	[sflag:s28] =	ssyncadd.s32 $0xFFFFE000  }
0x49: {  	[hbm4b:s15+s2] =	stream.linear.scatter [tilespmem:s21], [sflag:$0x6], $0x2000, $0x38;
	[tilespmem:$0xE400] =	vst v63  }
0x4a: {  	_ =	swait.ge [sflag:s29], $0x2000  }
0x4b: {  	[sflag:s29] =	ssyncset.done $0x0  }
0x4c: {  	s10 =	simm.s32 $0x400;
	[sflag:s29] =	ssyncadd.s32 $0xFFFFE000  }
0x4d: {  	[tilespmem:s20], [sflag:$0x1] =	stream.indirect.gather [hbm4b:s3+s19], $0x40, s10, s19, $0xb8;
	[tilespmem:$0xE400] =	vst v63  }
0x4e: {  	_ =	swait.ge [sflag:s31], $0x2000  }
0x4f: {  	[sflag:s31] =	ssyncset.done $0x0  }
0x50: {  	[sflag:s31] =	ssyncadd.s32 $0xFFFFE000  }
0x51: {  	[hbm4b:s14+s2] =	stream.linear.scatter [tilespmem:s23], [sflag:$0x7], $0x2000, $0x38;
	[tilespmem:$0xE400] =	vst v63  }
0x52: {  	_ =	swait.ge [sflag:s1], $0x2000  }
0x53: {  	[sflag:s1] =	ssyncset.done $0x0  }
0x54: {  	s11 =	simm.s32 $0x480;
	[sflag:s1] =	ssyncadd.s32 $0xFFFFE000  }
0x55: {  	[tilespmem:s21], [sflag:$0x2] =	stream.indirect.gather [hbm4b:s3+s19], $0x40, s11, s19, $0xb8;
	[tilespmem:$0xE400] =	vst v63  }
0x56: {  	_ =	swait.ge [sflag:s22], $0x2000  }
0x57: {  	[sflag:s22] =	ssyncset.done $0x0  }
0x58: {  	[sflag:s22] =	ssyncadd.s32 $0xFFFFE000  }
0x59: {  	[hbm4b:s17+s2] =	stream.linear.scatter [tilespmem:s26], [sflag:$0x8], $0x2000, $0x38;
	[tilespmem:$0xE400] =	vst v63  }
0x5a: {  	s5 =	simm.s32 $0x800;
	s6 =	sadd.s32 $0x1000, s17;
	_ =	swait.ge [sflag:s25], $0x2000  }
0x5b: {  	s7 =	sadd.s32 $0x1000, s15;
	s8 =	sadd.s32 $0x1000, s16;
	[sflag:s25] =	ssyncset.done $0x0  }
0x5c: {  	s9 =	sadd.s32 $0x1000, s14;
	s10 =	simm.s32 $0x500;
	[sflag:s25] =	ssyncadd.s32 $0xFFFFE000  }
.LBB2_2:
0x5d: {  	[tilespmem:s23], [sflag:$0x3] =	stream.indirect.gather [hbm4b:s3+s19], $0x40, s10, s19, $0xb8;
	[tilespmem:$0xE400] =	vst v63  }
0x5e: {  	s10 =	smov.u32 s5  }
0x5f: {  	p0 =	sne.s32 s5, $0x17800;
	s5 =	sadd.s32 $0x800, s5;
	_ =	swait.ge [sflag:s24], $0x2000  }
0x60: {  	[sflag:s24] =	ssyncset.done $0x0  }
0x61: {  	[sflag:s24] =	ssyncadd.s32 $0xFFFFE000  }
0x62: {  	[hbm4b:s8+s2] =	stream.linear.scatter [tilespmem:s20], [sflag:$0x5], $0x2000, $0x38;
	[tilespmem:$0xE400] =	vst v63  }
0x63: {  	_ =	swait.ge [sflag:s0], $0x2000  }
0x64: {  	s10 =	sshra.s32 s10, $0x2;
	[sflag:s0] =	ssyncset.done $0x0  }
0x65: {  	s11 =	sadd.s32 $0x380, s10;
	[sflag:s0] =	ssyncadd.s32 $0xFFFFE000  }
0x66: {  	[tilespmem:s26], [sflag:$0x4] =	stream.indirect.gather [hbm4b:s3+s19], $0x40, s11, s19, $0xb8;
	[tilespmem:$0xE400] =	vst v63  }
0x67: {  	_ =	swait.ge [sflag:s28], $0x2000  }
0x68: {  	[sflag:s28] =	ssyncset.done $0x0  }
0x69: {  	[sflag:s28] =	ssyncadd.s32 $0xFFFFE000  }
0x6a: {  	[hbm4b:s7+s2] =	stream.linear.scatter [tilespmem:s21], [sflag:$0x6], $0x2000, $0x38;
	[tilespmem:$0xE400] =	vst v63  }
0x6b: {  	_ =	swait.ge [sflag:s29], $0x2000  }
0x6c: {  	[sflag:s29] =	ssyncset.done $0x0  }
0x6d: {  	s11 =	sadd.s32 $0x400, s10;
	[sflag:s29] =	ssyncadd.s32 $0xFFFFE000  }
0x6e: {  	[tilespmem:s20], [sflag:$0x1] =	stream.indirect.gather [hbm4b:s3+s19], $0x40, s11, s19, $0xb8;
	[tilespmem:$0xE400] =	vst v63  }
0x6f: {  	_ =	swait.ge [sflag:s31], $0x2000  }
0x70: {  	[sflag:s31] =	ssyncset.done $0x0  }
0x71: {  	[sflag:s31] =	ssyncadd.s32 $0xFFFFE000  }
0x72: {  	[hbm4b:s9+s2] =	stream.linear.scatter [tilespmem:s23], [sflag:$0x7], $0x2000, $0x38;
	[tilespmem:$0xE400] =	vst v63  }
0x73: {  	_ =	swait.ge [sflag:s1], $0x2000  }
0x74: {  	[sflag:s1] =	ssyncset.done $0x0  }
0x75: {  	s11 =	sadd.s32 $0x480, s10;
	[sflag:s1] =	ssyncadd.s32 $0xFFFFE000  }
0x76: {  	[tilespmem:s21], [sflag:$0x2] =	stream.indirect.gather [hbm4b:s3+s19], $0x40, s11, s19, $0xb8;
	[tilespmem:$0xE400] =	vst v63  }
0x77: {  	_ =	swait.ge [sflag:s22], $0x2000  }
0x78: {  	[sflag:s22] =	ssyncset.done $0x0  }
.Ltmp0:
0x79: {  	[sflag:s22] =	ssyncadd.s32 $0xFFFFE000;
	(pc) =	sbr.rel @p0 .LBB2_2-.Ltmp0, $4  }
0x7a: {  	[hbm4b:s6+s2] =	stream.linear.scatter [tilespmem:s26], [sflag:$0x8], $0x2000, $0x38;
	[tilespmem:$0xE400] =	vst v63  }
0x7b: {  	s6 =	sadd.s32 $0x1000, s6;
	_ =	swait.ge [sflag:s25], $0x2000  }
0x7c: {  	s8 =	sadd.s32 $0x1000, s8;
	s7 =	sadd.s32 $0x1000, s7;
	[sflag:s25] =	ssyncset.done $0x0  }
0x7d: {  	s10 =	sadd.s32 $0x500, s10;
	s9 =	sadd.s32 $0x1000, s9;
	[sflag:s25] =	ssyncadd.s32 $0xFFFFE000  }
0x7e: {  	[tilespmem:s23], [sflag:$0x3] =	stream.indirect.gather [hbm4b:s3+s19], $0x40, s10, s19, $0xb8;
	[tilespmem:$0xE400] =	vst v63  }
0x7f: {  	_ =	swait.ge [sflag:s24], $0x2000  }
0x80: {  	[sflag:s24] =	ssyncset.done $0x0  }
0x81: {  	s5 =	rddreg [dreg:$0x7];
	[sflag:s24] =	ssyncadd.s32 $0xFFFFE000  }
0x82: {  	[hbm4b:s5+s2] =	stream.linear.scatter [tilespmem:s20], [sflag:$0x5], $0x2000, $0x38;
	[tilespmem:$0xE400] =	vst v63  }
0x83: {  	_ =	swait.ge [sflag:s0], $0x2000  }
0x84: {  	[sflag:s0] =	ssyncset.done $0x0  }
0x85: {  	s9 =	simm.s32 $0x6380;
	[sflag:s0] =	ssyncadd.s32 $0xFFFFE000  }
0x86: {  	[tilespmem:s26], [sflag:$0x4] =	stream.indirect.gather [hbm4b:s3+s19], $0x40, s9, s19, $0xb8;
	[tilespmem:$0xE400] =	vst v63  }
0x87: {  	_ =	swait.ge [sflag:s28], $0x2000  }
0x88: {  	[sflag:s28] =	ssyncset.done $0x0  }
0x89: {  	s10 =	rddreg [dreg:$0x8];
	[sflag:s28] =	ssyncadd.s32 $0xFFFFE000  }
0x8a: {  	[hbm4b:s10+s2] =	stream.linear.scatter [tilespmem:s21], [sflag:$0x6], $0x2000, $0x38;
	[tilespmem:$0xE400] =	vst v63  }
0x8b: {  	_ =	swait.ge [sflag:s31], $0x2000  }
0x8c: {  	[sflag:s31] =	ssyncset.done $0x0  }
0x8d: {  	s11 =	rddreg [dreg:$0x9];
	[sflag:s31] =	ssyncadd.s32 $0xFFFFE000  }
0x8e: {  	[hbm4b:s11+s2] =	stream.linear.scatter [tilespmem:s23], [sflag:$0x7], $0x2000, $0x38;
	[tilespmem:$0xE400] =	vst v63  }
0x8f: {  	_ =	swait.ge [sflag:s22], $0x2000  }
0x90: {  	[sflag:s22] =	ssyncset.done $0x0  }
0x91: {  	[sflag:s22] =	ssyncadd.s32 $0xFFFFE000  }
0x92: {  	[hbm4b:s12+s2] =	stream.linear.scatter [tilespmem:s26], [sflag:$0x8], $0x2000, $0x38;
	[tilespmem:$0xE400] =	vst v63  }
0x93: {  	_ =	swait.ge [sflag:s29], $0x2000  }
0x94: {  	[sflag:s29] =	ssyncset.done $0x0  }
0x95: {  	[sflag:s29] =	ssyncadd.s32 $0xFFFFE000  }
0x96: {  	_ =	swait.ge [sflag:s1], $0x2000  }
0x97: {  	[sflag:s1] =	ssyncset.done $0x0  }
0x98: {  	s30 =	sadd.s32 $0x1, s30;
	[sflag:s1] =	ssyncadd.s32 $0xFFFFE000  }
0x99: {  	p0 =	sne.s32 s30, s13;
	_ =	swait.ge [sflag:s25], $0x2000  }
.Ltmp1:
0x9a: {  	[sflag:s25] =	ssyncset.done $0x0;
	(pc) =	sbr.rel @p0 .LBB2_1-.Ltmp1, $4  }
0x9b: {  	[sflag:s25] =	ssyncadd.s32 $0xFFFFE000  }
0x9c: {  	_ =	swait.ge [sflag:s0], $0x2000  }
0x9d: {  	[sflag:s0] =	ssyncset.done $0x0  }
0x9e: {  	[sflag:s0] =	ssyncadd.s32 $0xFFFFE000  }
0x9f: {  	_ =	sfence.sel $0x180000  }
0xa0: {  	[bflag:$0x0] =	sbarrier.arrive $0xFFFF  }
0xa1: {  	_ =	strace $0x90000047  }
0xa2: {  	s0 =	stileid.u32;
	[bflag:$0x2] =	sbarrier.arrive $0xFFFF  }
0xa3: {  	p0 =	sne.s32 s0, $0x0;
	s0 =	rddreg [dreg:$0x2]  }
0xa4: {  	s0 =	sadd.s32 @!p0 $0x100000, s0  }
0xa5: {  	[sflag:s0] =	ssyncadd.tile.s32 @!p0 $0x1;
	_ =	shalt  }
.Lfunc_end2:
_tile_overlayer_lowered:
.L_overlay_start_2:
0xa6: {  	(tag) =	ssettag $0x2  }
0xa7: {  	s0 =	rddreg [dreg:$0x0];
	s2 =	stileid.u32  }
0xa8: {  	s1 =	rddreg [dreg:$0x1];
	p0 =	sne.s32 s2, $0x0  }
0xa9: {  	s3 =	rddreg [dreg:$0x2];
	[bflag:$0x3] =	sbarrier.arrive $0xFFFF;
	s2 =	simm.s32 @!p0 $0x1C09  }
0xaa: {  	[timem:s3], [sflag:s2] =	dma.local @!p0 [hbm:s0], s1  }
0xab: {  	s0 =	simm.s32 @!p0 $0x9  }
0xac: {  	_ =	swait.ge @!p0 [sflag:s0], s1  }
0xad: {  	s1 =	ssub.s32 @!p0 $0x0, s1;
	[sflag:s0] =	ssyncset.done @!p0 $0x0  }
0xae: {  	[sflag:s0] =	ssyncadd.s32 @!p0 s1  }
0xaf: {  	[bflag:$0x3] =	sbarrier.arrive $0xFFFF  }
0xb0: {  	_ =	shalt  }

// kernel: sparse-core-data-format-call.cloned.1.call-start
scs
called_computation_lowered:
.L_overlay_start_0:
0x0: {  	s2 =	sld [smem:$0x3FD9]  }
0x1: {  	s3 =	sld [smem:$0x3FFE];
	_ =	sdelay $0x1  }
0x2: {  	s1 =	srdreg.scid  }
0x3: {  	s0 =	sand.u32 $0x1, s1  }
0x4: {  	s18 =	sshll.u32 s0, $0xA;
	s2 =	sadd.s32 s3, s2  }
0x5: {  	s2 =	sadd.s32 s2, s18  }
0x6: {  	[smem:$0x3FC6] =	sst s2  }
0x7: {  	_ = 	snop  }
0x8: {  	s2 =	sld [smem:$0x3FD0];
	(tm) =	ssettm $0x1  }
0x9: {  	s19 =	sld [smem:$0x3FFB];
	_ =	sdelay $0x3  }
0xa: {  	_ =	strace s19  }
0xb: {  	s3 =	sld [smem:$0x3FFC];
	_ =	sdelay $0x3  }
0xc: {  	_ =	strace s3  }
0xd: {  	s3 =	sld [smem:$0x3FFD];
	_ =	sdelay $0x3  }
0xe: {  	_ =	strace s3  }
0xf: {  	_ =	strace $0x8FFFFFFF  }
0x10: {  	s20 =	sld [smem:$0x3FDB];
	_ =	sdelay $0x1  }
0x11: {  	s4 =	simm.s32 $_scs_section_size  }
0x12: {  	s5 =	simm.s32 $_size__tile_overlayer_lowered;
	s6 =	simm.s32 $_tile_overlayer_lowered  }
0x13: {  	s23 =	simm.s32 $0x1BFF;
	s22 =	sshll.u32 s6, $0x1;
	s3 =	sadd.s32 s4, s20  }
0x14: {  	s7 =	simm.s32 $0x0;
	s21 =	sshll.u32 s5, $0x1;
	s5 =	sadd.s32 s22, s3  }
0x15: {  	[timem:s7], [sflag:s23] =	dma.local [hbm:s5], s21  }
0x16: {  	_ =	swait.ge [sflag:s23], s21  }
0x17: {  	s4 =	ssub.s32 $0x0, s21;
	[sflag:s23] =	ssyncset.done $0x0  }
0x18: {  	[sflag:s23] =	ssyncadd.s32 s4;
	_ =	sdelay $0x1  }
0x19: {  	s24 =	simm.s32 $0x1B8B  }
0x1a: {  	_ =	swait.ge [sflag:s24], $0x1  }
0x1b: {  	[sflag:s24] =	ssyncset.done $0x0  }
0x1c: {  	s26 =	simm.s32 $0x1B8E;
	s25 =	sld [smem:$0x3FFE];
	[sflag:s24] =	ssyncadd.s32 $0xFFFFFFFF  }
0x1d: {  	s27 =	simm.s32 $execute0_lowered;
	[smem:$0x3FD2] =	sst s26  }
0x1e: {  	s5 =	sshll.u32 s27, $0x1;
	_ =	strace $0x80000049;
	[dreg:$0x1] =	wrdreg $0xFFFFFFFF  }
0x1f: {  	s28 =	simm.s32 $_size_execute0_lowered;
	s3 =	sadd.s32 s3, s5;
	[dreg:$0x0] =	wrdreg $0x0  }
0x20: {  	s5 =	sshll.u32 s28, $0x1;
	[dreg:$0x2] =	wrdreg s3  }
0x21: {  	[dreg:$0x3] =	wrdreg s5  }
0x22: {  	[dreg:$0x4] =	wrdreg $0xC0  }
0x23: {  	_ =	task [dreg:s7], $0x5FFFF  }
0x24: {  	[dreg:$0x1] =	wrdreg $0xFFFFFFFF  }
0x25: {  	[dreg:$0x0] =	wrdreg $0x60  }
0x26: {  	[dreg:$0x2] =	wrdreg s25  }
0x27: {  	[dreg:$0x3] =	wrdreg s2  }
0x28: {  	[dreg:$0x4] =	wrdreg $0x9  }
0x29: {  	_ =	task.clear_ibuf [dreg:s7], $0x5FFFF;
	_ =	strace $0x90000049  }
0x2a: {  	s29 =	simm.s32 $0x9;
	_ =	strace $0x8000004B  }
0x2b: {  	_ =	swait.ge [sflag:s29], $0x1  }
0x2c: {  	[sflag:s29] =	ssyncadd.s32 $0xFFFFFFFF  }
0x2d: {  	_ =	strace $0x9000004B  }
0x2e: {  	_ =	sfence  }
0x2f: {  	s30 =	sld [smem:$0x0];
	_ =	sdelay $0x2  }
0x30: {  	s31 =	sshll.u32 s1, $0xD;
	s1 =	sshrl.u32 s1, $0x2  }
0x31: {  	s3 =	sand.u32 $0x4000, s31;
	s1 =	sadd.s32 s1, s30  }
0x32: {  	s0 =	sor.u32 s3, s0;
	s1 =	sshll.u32 s1, $0x11  }
0x33: {  	s0 =	sor.u32 s1, s0  }
0x34: {  	s0 =	sadd.s32 $0x8F2B, s0  }
0x35: {  	[sflag:s0] =	ssyncadd.remote.s32 $0x1  }
0x36: {  	_ =	sfence.sel $0xFFFF  }
0x37: {  	[dreg:$0x0] =	wrdreg $0xFFFFFFFF;
	(pc) =	sbr.abs _section_cstart, $3  }
0x38: {  	[dreg:$0x1] =	wrdreg $0xFFFFFFFF  }
0x39: {  	_ =	task.clear_ibuf [dreg:s7], $0x2FFFF;
	_ =	strace $0x9FFFFFFF  }
0x3a: {  	(tm) =	ssettm $0x7FFFFFFF  }
0x3b: {  	_ =	shalt  }
tec
execute0_lowered:
.L_overlay_start_1:
0x0: {  	(tag) =	ssettag $0x1  }
0x1: {  	s0 =	srdreg.scid  }
0x2: {  	s1 =	sshll.u32 s0, $0x4  }
0x3: {  	s0 =	stileid.u32;
	s1 =	sand.u32 $0x10, s1  }
0x4: {  	s1 =	sor.u32 s0, s1  }
0x5: {  	s6 =	rddreg [dreg:$0x0];
	s4 =	simm.s32 $0x1;
	s2 =	sshll.u32 s1, $0x7  }
0x6: {  	s7 =	simm.s32 $0x2;
	s12 =	simm.s32 $0x0;
	s1 =	ssub.s32 $0x1000, s2  }
0x7: {  	s8 =	simm.s32 $0x8000;
	s13 =	simm.s32 $0x0;
	s3 =	sand.u32 $0xF80, s1  }
0x8: {  	s9 =	simm.s32 $0x0;
	s5 =	sshrl.u32 s1, $0xC;
	p0 =	sne.s32 s3, $0x0  }
.Ltmp0:
0x9: {  	s1 =	rddreg [dreg:$0x2];
	s4 =	simm.s32 @!p0 $0x0;
	(pc) =	sbr.rel .LBB1_1-.Ltmp0, $4  }
0xa: {  	s11 =	simm.s32 $0x0;
	s3 =	rddreg [dreg:$0x1];
	s5 =	sadd.s32 s4, s5  }
0xb: {  	_ =	strace $0x8000004A;
	s4 =	simm.s32 $0x1;
	s5 =	smul.u32 $0xC8, s5  }
0xc: {  	s6 =	sadd.s32 $0x1000, s6;
	s10 =	smov.u32 s2;
	[sflag:s4] =	ssyncpa.u1 $0x0  }
0xd: {  	p0 =	por $0x0, $0x0;
	[sflag:s7] =	ssyncpa.u1 $0x0;
	s7 =	sor.u32 $0x1, s5  }
.LBB1_4:
0xe: {  	s16 =	sshll.u32 s13, $0x3;
	s17 =	sand.u32 $0x78, s13  }
0xf: {  	s30 =	sand.u32 $0x7E00, s13;
	s12 =	sshll.u32 s12, $0xF;
	s16 =	sand.u32 $0xC00, s16  }
0x10: {  	[tilespmem:s15+$0x810 ss:$0x81] =	vst.msk $0xffff, v2;
	s31 =	sand.u32 $0x7, s13;
	s16 =	sor.u32 s17, s16;
	s17 =	sadd.s32 s3, s30  }
0x11: {  	[tilespmem:s15+$0x1020 ss:$0x81] =	vst.msk $0xffff, v0;
	s13 =	sshll.u32 s31, $0x12;
	s12 =	sadd.s32 s12, s17;
	s16 =	sshrl.u32 s16, $0x3  }
0x12: {  	[tilespmem:s15+$0x0 ss:$0x81] =	vst.msk $0xffff, v1;
	s13 =	sor.u32 $0x400, s13;
	s12 =	sadd.s32 s16, s12  }
0x13: {  	[hbm4b:s12+s13] =	stream.strided.scatter [tilespmem:s14], [sflag:$0x2], $0x2000, s8, s13, $0x20;
	[tilespmem:$0x8080] =	vst v63  }
.LBB1_5:
0x14: {  	s14 =	sadd.s32 $0x1, s9  }
0x15: {  	s12 =	sadd.s32 $0x1000, s10;
	s16 =	smov.u32 s10;
	p2 =	sgt.s32 s14, $0xC7  }
0x16: {  	s16 =	smov.u32 @p2 s12  }
0x17: {  	s14 =	simm.s32 @p2 $0x0;
	p2 =	sgt.s32 s16, $0xFFF  }
0x18: {  	s16 =	smov.u32 @p2 s2;
	p2 =	sne.s32 s11, s7  }
.Ltmp1:
0x19: {  	p1 =	slt.u32 s11, $0x2;
	(pc) =	sbr.rel @!p2 .LBB1_6-.Ltmp1, $4  }
0x1a: {  	s15 =	simm.s32 @!p1 $0x2  }
0x1b: {  	s13 =	smov.u32 s10;
	p0 =	por !p0, !p0;
	_ =	swait.ge @!p1 [sflag:s15], $0x2000  }
0x1c: {  	s12 =	smov.u32 s9;
	[sflag:s15] =	ssyncset.done @!p1 $0x0;
	s9 =	smov.u32 s14  }
0x1d: {  	s11 =	sadd.s32 $0x1, s11;
	[sflag:s15] =	ssyncadd.s32 @!p1 $0xFFFFE000;
	s10 =	smov.u32 s16  }
.LBB1_1:
0x1e: {  	p1 =	sge.u32 s11, s5  }
0x1f: {  	s14 =	sand.u32 @!p1 $0x1FFFFFF, s9  }
0x20: {  	s15 =	smulhi.u32 @!p1 $0x147AE15, s14;
	_ =	sdelay $0x1  }
0x21: {  	s15 =	smul.u32 @!p1 $0xC8, s15  }
0x22: {  	s16 =	sxor.u32 @!p1 $0xFFFFFFFF, s11;
	s17 =	smul.u32 @!p1 $0xC80, s10  }
0x23: {  	s31 =	sadd.s32 $0xFFFFFFFF, s11;
	s16 =	sshll.u32 @!p1 s16, $0xD;
	s14 =	ssub.s32 @!p1 s14, s15  }
0x24: {  	s15 =	sand.u32 @!p1 $0x2000, s16;
	s16 =	sadd.s32 @!p1 s6, s17;
	s14 =	sshll.u32 @!p1 s14, $0x4  }
0x25: {  	s17 =	simm.s32 @!p1 $0x6400;
	s14 =	sadd.s32 @!p1 s14, s16;
	s16 =	simm.s32 @!p1 $0x40  }
0x26: {  	[tilespmem:s15], [sflag:$0x1] =	stream.strided.gather @!p1 [hbm4b:s14+s16], $0x2000, s17, s16, $0x38;
	[tilespmem:$0x8080] =	vst v63  }
0x27: {  	p1 =	sge.u32 s31, s5  }
.Ltmp2:
0x28: {  	_ = 	snop;
	(pc) =	sbr.rel @p1 .LBB1_5-.Ltmp2, $1  }
0x29: {  	_ =	sdelay $0x3  }
0x2a: {  	s14 =	simm.s32 $0x1  }
0x2b: {  	_ =	swait.ge [sflag:s4], $0x2000;
	s14 =	simm.s32 @!p0 $0x0  }
0x2c: {  	[sflag:s4] =	ssyncset.done $0x0;
	s15 =	sshll.u32 s14, $0xD  }
0x2d: {  	[sflag:s4] =	ssyncadd.s32 $0xFFFFE000;
	s18 =	sor.u32 $0x20, s15  }
0x2e: {  	s14 =	smul.u32 $0x8100, s14;
	v3 =	vld [tilespmem:s18+$0x10]  }
0x2f: {  	s30 =	sand.u32 $0x1, s11;
	v2 =	vld [tilespmem:s18+$0xFFFFFFF0]  }
0x30: {  	s15 =	smul.u32 $0x8100, s30;
	s14 =	sshrl.u32 s14, $0x2;
	v0 =	vld [tilespmem:s18+$0x0]  }
0x31: {  	v1 =	vld [tilespmem:s18+$0xFFFFFFE0];
	s16 =	sor.u32 $0x4000, s14  }
0x32: {  	s31 =	sshrl.u32 s15, $0x2;
	s15 =	sadd.s32 $0x0, s16  }
0x33: {  	s17 =	simm.s32 $0x4;
	s18 =	sadd.s32 $0x40, s18;
	s14 =	sor.u32 $0x4000, s31;
	[tilespmem:s15+$0x1830 ss:$0x81] =	vst.msk $0xffff, v3  }
.LBB1_3:
0x34: {  	v3 =	vld [tilespmem:s18+$0x10];
	p1 =	sne.s32 s17, $0x1FC;
	[tilespmem:s15+$0x810 ss:$0x81] =	vst.msk $0xffff, v2;
	s19 =	smov.u32 s17;
	s17 =	sadd.s32 $0x4, s17  }
.Ltmp3:
0x35: {  	v2 =	vld [tilespmem:s18+$0xFFFFFFF0];
	[tilespmem:s15+$0x1020 ss:$0x81] =	vst.msk $0xffff, v0;
	(pc) =	sbr.rel @p1 .LBB1_3-.Ltmp3, $4  }
0x36: {  	v0 =	vld [tilespmem:s18+$0x0];
	[tilespmem:s15+$0x0 ss:$0x81] =	vst.msk $0xffff, v1  }
0x37: {  	s15 =	sshra.s32 s19, $0x2;
	v1 =	vld [tilespmem:s18+$0xFFFFFFE0]  }
0x38: {  	s15 =	sadd.s32 s15, s16  }
0x39: {  	s18 =	sadd.s32 $0x40, s18;
	[tilespmem:s15+$0x1830 ss:$0x81] =	vst.msk $0xffff, v3  }
.Ltmp4:
0x3a: {  	_ = 	snop;
	(pc) =	sbr.rel .LBB1_4-.Ltmp4, $1  }
0x3b: {  	_ =	sdelay $0x3  }
.LBB1_6:
0x3c: {  	_ =	sfence.sel $0x180000  }
0x3d: {  	s2 =	simm.s32 $0x1;
	[bflag:$0x0] =	sbarrier.arrive $0xFFFF  }
0x3e: {  	s31 =	simm.s32 $0x2;
	[sflag:s2] =	ssyncpa.u1 $0x1  }
0x3f: {  	[sflag:s31] =	ssyncpa.u1 $0x1  }
0x40: {  	p0 =	sne.s32 s0, $0x0;
	_ =	strace $0x9000004A  }
0x41: {  	s0 =	sadd.s32 @!p0 $0x100000, s1;
	[bflag:$0x2] =	sbarrier.arrive $0xFFFF  }
0x42: {  	[sflag:s0] =	ssyncadd.tile.s32 @!p0 $0x1;
	_ =	shalt  }
.Lfunc_end1:
_tile_overlayer_lowered:
.L_overlay_start_2:
0x43: {  	(tag) =	ssettag $0x2  }
0x44: {  	s0 =	rddreg [dreg:$0x0];
	s2 =	stileid.u32  }
0x45: {  	s1 =	rddreg [dreg:$0x1];
	p0 =	sne.s32 s2, $0x0  }
0x46: {  	s3 =	rddreg [dreg:$0x2];
	[bflag:$0x3] =	sbarrier.arrive $0xFFFF;
	s2 =	simm.s32 @!p0 $0x1C01  }
0x47: {  	[timem:s3], [sflag:s2] =	dma.local @!p0 [hbm:s0], s1  }
0x48: {  	s0 =	simm.s32 @!p0 $0x1  }
0x49: {  	_ =	swait.ge @!p0 [sflag:s0], s1  }
0x4a: {  	s1 =	ssub.s32 @!p0 $0x0, s1;
	[sflag:s0] =	ssyncset.done @!p0 $0x0  }
0x4b: {  	[sflag:s0] =	ssyncadd.s32 @!p0 s1  }
0x4c: {  	[bflag:$0x3] =	sbarrier.arrive $0xFFFF  }
0x4d: {  	_ =	shalt  }

</sc_bundles>
